<compile_context>
chip_gen: v7x
topology: tpu7x:2x2x1
jax: 0.10.2.dev20260603
libtpu: 0.0.44.dev20260713+nightly
codegen_flags: <defaults>
</compile_context>

<pallas_src>
import functools

import jax
import jax.numpy as jnp
from jax import lax
from jax.experimental import pallas as pl
from jax.experimental.pallas import tpu as pltpu, tpu_sc as plsc

N = 10000
D_IN = 128
D_HID = 128
D_OUT = 40
D_OUT_PAD = 128

NC = 2
NS = 16
NW = NC * NS
CH = 128

N_PAD = 10240
ROWS_PER_TILE = N_PAD // NS

_MESH = plsc.VectorSubcoreMesh(
    core_axis_name="c", subcore_axis_name="s", num_cores=NC, num_subcores=NS
)


def _seg_body(t0, t1, d, hs_hbm, src_hbm, dst_hbm, z_hbm, out_hbm,
              src_v, dst_v, buf, sem, acc):
    c = lax.axis_index("c")
    s = lax.axis_index("s")
    w = c * NS + s
    r0 = s * ROWS_PER_TILE
    tc = jnp.where(c == 0, t0, t1)
    pltpu.sync_copy(z_hbm.at[pl.ds(r0, ROWS_PER_TILE)],
                    acc.at[pl.ds(r0, ROWS_PER_TILE)])
    pltpu.sync_copy(src_hbm.at[w], src_v)
    pltpu.sync_copy(dst_hbm.at[w], dst_v)
    plsc.subcore_barrier()

    def body(j, carry):
        pltpu.async_copy(hs_hbm.at[src_v.at[j]], buf, sem).wait()
        pltpu.sync_copy(buf, acc.at[dst_v.at[j]], add=True)
        return carry

    lax.fori_loop(0, tc, body, 0, unroll=False)
    plsc.subcore_barrier()
    pltpu.sync_copy(acc.at[pl.ds(r0, ROWS_PER_TILE)],
                    out_hbm.at[c, pl.ds(r0, ROWS_PER_TILE)])


def _make_seg_kernel(t0, t1, d):
    t_max = max(t0, t1)
    return pl.kernel(
        functools.partial(_seg_body, t0, t1, d),
        out_type=jax.ShapeDtypeStruct((NC, N_PAD, d), jnp.float32),
        mesh=_MESH,
        scratch_types=[
            pltpu.VMEM((t_max, CH), jnp.int32),
            pltpu.VMEM((t_max, CH), jnp.int32),
            pltpu.VMEM((CH, d), jnp.float32),
            pltpu.SemaphoreType.DMA,
            pltpu.VMEM_SHARED((N_PAD, d), jnp.float32),
        ],
    )


def _deg_body(t0, t1, dst_hbm, ones_hbm, z_hbm, out_hbm,
              dst_v, ones_v, acc):
    c = lax.axis_index("c")
    s = lax.axis_index("s")
    w = c * NS + s
    r0 = s * ROWS_PER_TILE
    tc = jnp.where(c == 0, t0, t1)
    pltpu.sync_copy(z_hbm.at[pl.ds(r0, ROWS_PER_TILE)],
                    acc.at[pl.ds(r0, ROWS_PER_TILE)])
    pltpu.sync_copy(ones_hbm, ones_v)
    pltpu.sync_copy(dst_hbm.at[w], dst_v)
    plsc.subcore_barrier()

    def body(j, carry):
        pltpu.sync_copy(ones_v, acc.at[dst_v.at[j]], add=True)
        return carry

    lax.fori_loop(0, tc, body, 0, unroll=False)
    plsc.subcore_barrier()
    pltpu.sync_copy(acc.at[pl.ds(r0, ROWS_PER_TILE)],
                    out_hbm.at[c, pl.ds(r0, ROWS_PER_TILE)])


def _make_deg_kernel(t0, t1):
    t_max = max(t0, t1)
    return pl.kernel(
        functools.partial(_deg_body, t0, t1),
        out_type=jax.ShapeDtypeStruct((NC, N_PAD, 128), jnp.float32),
        mesh=_MESH,
        scratch_types=[
            pltpu.VMEM((t_max, CH), jnp.int32),
            pltpu.VMEM((CH, 128), jnp.float32),
            pltpu.VMEM_SHARED((N_PAD, 128), jnp.float32),
        ],
    )



_BT = 1024


def _tc1_body(x_ref, w_ref, dp0_ref, dp1_ref, hs_ref, dinv_ref):
    i = pl.program_id(0)
    deg = dp0_ref[...] + dp1_ref[...] + 1.0
    dinv = lax.rsqrt(deg)
    rows = i * _BT + lax.broadcasted_iota(jnp.int32, (_BT,), 0)
    mask = (rows < N).astype(jnp.float32)
    h = jnp.dot(x_ref[...], w_ref[...], preferred_element_type=jnp.float32)
    hs_ref[...] = h * (dinv * mask)[:, None]
    dinv_ref[...] = dinv


def _tc1(x_pad, w1, dp0, dp1):
    grid = (N_PAD // _BT,)
    return pl.pallas_call(
        _tc1_body,
        grid=grid,
        in_specs=[
            pl.BlockSpec((_BT, D_IN), lambda i: (i, 0)),
            pl.BlockSpec((D_IN, D_HID), lambda i: (0, 0)),
            pl.BlockSpec((_BT,), lambda i: (i,)),
            pl.BlockSpec((_BT,), lambda i: (i,)),
        ],
        out_specs=[
            pl.BlockSpec((_BT, D_HID), lambda i: (i, 0)),
            pl.BlockSpec((_BT,), lambda i: (i,)),
        ],
        out_shape=[
            jax.ShapeDtypeStruct((N_PAD, D_HID), jnp.float32),
            jax.ShapeDtypeStruct((N_PAD,), jnp.float32),
        ],
    )(x_pad, w1, dp0, dp1)


def _tc_layer_body(s_ref, hs_ref, dinv_ref, b_ref, w_ref, out_ref):
    i = pl.program_id(0)
    dinv = dinv_ref[...]
    u = dinv[:, None] * (s_ref[0] + s_ref[1] + hs_ref[...]) + b_ref[...][None, :]
    x2 = jnp.maximum(u, 0.0)
    rows = i * _BT + lax.broadcasted_iota(jnp.int32, (_BT,), 0)
    mask = (rows < N).astype(jnp.float32)
    h = jnp.dot(x2, w_ref[...], preferred_element_type=jnp.float32)
    out_ref[...] = h * (dinv * mask)[:, None]


def _tc_layer(s_part, hs_prev, dinv, b, w):
    d_in = hs_prev.shape[1]
    d_out = w.shape[1]
    grid = (N_PAD // _BT,)
    return pl.pallas_call(
        _tc_layer_body,
        grid=grid,
        in_specs=[
            pl.BlockSpec((NC, _BT, d_in), lambda i: (0, i, 0)),
            pl.BlockSpec((_BT, d_in), lambda i: (i, 0)),
            pl.BlockSpec((_BT,), lambda i: (i,)),
            pl.BlockSpec((d_in,), lambda i: (0,)),
            pl.BlockSpec((d_in, d_out), lambda i: (0, 0)),
        ],
        out_specs=pl.BlockSpec((_BT, d_out), lambda i: (i, 0)),
        out_shape=jax.ShapeDtypeStruct((N_PAD, d_out), jnp.float32),
    )(s_part, hs_prev, dinv, b, w)


def _tc_final_body(s_ref, hs_ref, dinv_ref, b_ref, out_ref):
    dinv = dinv_ref[...]
    u = dinv[:, None] * (s_ref[0] + s_ref[1] + hs_ref[...]) + b_ref[...][None, :]
    cols = lax.broadcasted_iota(jnp.int32, (_BT, D_OUT_PAD), 1)
    um = jnp.where(cols < D_OUT, u, -1e30)
    m = jnp.max(um, axis=-1, keepdims=True)
    e = jnp.where(cols < D_OUT, jnp.exp(um - m), 0.0)
    lse = m + jnp.log(jnp.sum(e, axis=-1, keepdims=True))
    out_ref[...] = um - lse


def _tc_final(s_part, hs3, dinv, b3p):
    grid = (N_PAD // _BT,)
    return pl.pallas_call(
        _tc_final_body,
        grid=grid,
        in_specs=[
            pl.BlockSpec((NC, _BT, D_OUT_PAD), lambda i: (0, i, 0)),
            pl.BlockSpec((_BT, D_OUT_PAD), lambda i: (i, 0)),
            pl.BlockSpec((_BT,), lambda i: (i,)),
            pl.BlockSpec((D_OUT_PAD,), lambda i: (0,)),
        ],
        out_specs=pl.BlockSpec((_BT, D_OUT_PAD), lambda i: (i, 0)),
        out_shape=jax.ShapeDtypeStruct((N_PAD, D_OUT_PAD), jnp.float32),
    )(s_part, hs3, dinv, b3p)


_F0 = 0.585


def _split_edges(idx, t_tot, t0, t1):
    t_max = max(t0, t1)
    e0 = NS * t0 * CH
    part0 = idx[:e0].reshape(NS, t0, CH)
    part1 = idx[e0:].reshape(NS, t1, CH)
    part0 = jnp.pad(part0, ((0, 0), (0, t_max - t0), (0, 0)), constant_values=N)
    part1 = jnp.pad(part1, ((0, 0), (0, t_max - t1), (0, 0)), constant_values=N)
    return jnp.concatenate([part0, part1], axis=0)


def kernel(x, edge_index, W1, b1, W2, b2, W3, b3):
    e = edge_index.shape[1]
    t_tot = -(-e // (NS * CH))
    t0 = max(1, min(t_tot - 1, round(t_tot * _F0)))
    t1 = t_tot - t0
    e_pad = NS * t_tot * CH
    src = edge_index[0].astype(jnp.int32)
    dst = edge_index[1].astype(jnp.int32)
    src = jnp.concatenate([src, jnp.full((e_pad - e,), N, jnp.int32)])
    dst = jnp.concatenate([dst, jnp.full((e_pad - e,), N, jnp.int32)])
    src_r = _split_edges(src, t_tot, t0, t1)
    dst_r = _split_edges(dst, t_tot, t0, t1)
    t0d = t_tot // 2
    t1d = t_tot - t0d
    dst_deg = _split_edges(dst, t_tot, t0d, t1d)

    z128 = jnp.zeros((N_PAD, D_HID), jnp.float32)
    ones = jnp.ones((CH, 128), jnp.float32)

    deg_part = _make_deg_kernel(t0d, t1d)(dst_deg, ones, z128)
    dp0 = deg_part[0, :, 0]
    dp1 = deg_part[1, :, 0]

    x_pad = jnp.pad(x, ((0, N_PAD - N), (0, 0)))
    hs1, dinv = _tc1(x_pad, W1, dp0, dp1)

    seg128 = _make_seg_kernel(t0, t1, D_HID)
    s1 = seg128(hs1, src_r, dst_r, z128)
    hs2 = _tc_layer(s1, hs1, dinv, b1, W2)
    s2 = seg128(hs2, src_r, dst_r, z128)
    w3p = jnp.pad(W3, ((0, 0), (0, D_OUT_PAD - D_OUT)))
    b3p = jnp.pad(b3, (0, D_OUT_PAD - D_OUT))
    hs3 = _tc_layer(s2, hs2, dinv, b2, w3p)
    s3 = _make_seg_kernel(t0, t1, D_OUT_PAD)(hs3, src_r, dst_r, z128)
    logits = _tc_final(s3, hs3, dinv, b3p)
    return logits[:N, :D_OUT]

# --- scband reference (transcript-rebuilt; emitter-appended) ---
"""Pipeline reference for scband-gcn-69389491634483 (READ-ONLY COPY).

The authoritative reference and input builder live on the scoring server;
editing this copy changes nothing except your own understanding.
"""

import jax, jax.numpy as jnp
import numpy as np

N = 10000
E = 320000
D_IN = 128
D_HID = 128
D_OUT = 40


def _glorot(key, fan_in, fan_out):
    limit = np.sqrt(6.0 / (fan_in + fan_out))
    return jax.random.uniform(key, (fan_in, fan_out), dtype=jnp.float32, minval=-limit, maxval=limit)


def setup_inputs(seed: int = 0) -> dict:
    key = jax.random.key(seed)
    ks = jax.random.split(key, 8)
    x = jax.random.normal(ks[0], (N, D_IN), dtype=jnp.float32)
    edge_index = jax.random.randint(ks[1], (2, E), 0, N).astype(jnp.int64)
    W1 = _glorot(ks[2], D_IN, D_HID)
    b1 = jnp.zeros((D_HID,), dtype=jnp.float32)
    W2 = _glorot(ks[3], D_HID, D_HID)
    b2 = jnp.zeros((D_HID,), dtype=jnp.float32)
    W3 = _glorot(ks[4], D_HID, D_OUT)
    b3 = jnp.zeros((D_OUT,), dtype=jnp.float32)
    return {"x": x, "edge_index": edge_index, "W1": W1, "b1": b1, "W2": W2, "b2": b2, "W3": W3, "b3": b3}


def gcn_conv(x, edge_index, W, b):
    # GCNConv with normalize=True, add_self_loops=True, cached=False (PyG semantics)
    n = x.shape[0]
    src = edge_index[0]
    dst = edge_index[1]
    loop = jnp.arange(n, dtype=src.dtype)
    src2 = jnp.concatenate([src, loop])
    dst2 = jnp.concatenate([dst, loop])
    ew = jnp.ones(src2.shape[0], dtype=x.dtype)
    deg = jnp.zeros((n,), dtype=x.dtype).at[dst2].add(ew)
    deg_inv_sqrt = jnp.where(deg > 0, jax.lax.rsqrt(jnp.maximum(deg, 1e-12)), 0.0)
    norm = deg_inv_sqrt[src2] * deg_inv_sqrt[dst2]
    h = x @ W
    msg = h[src2] * norm[:, None]
    out = jnp.zeros((n, W.shape[1]), dtype=x.dtype).at[dst2].add(msg)
    return out + b


def reference(x, edge_index, W1, b1, W2, b2, W3, b3):
    # eval mode: F.dropout(training=False) is identity
    h = jax.nn.relu(gcn_conv(x, edge_index, W1, b1))
    h = jax.nn.relu(gcn_conv(h, edge_index, W2, b2))
    h = gcn_conv(h, edge_index, W3, b3)
    return jax.nn.log_softmax(h, axis=-1)

if __name__ == "__main__":
    import jax
    _d = setup_inputs()
    print(jax.jit(kernel)(*tuple(_d.values())))

</pallas_src>

<mosaic_0001>
#map = affine_map<(d0, d1) -> (0, 0, 0)>
#map1 = affine_map<(d0, d1) -> (0, 0)>
module attributes {stable_mosaic.version = 14 : i64} {
  func.func @_deg_body(%arg0: i32, %arg1: i32, %arg2: memref<32x79x128xi32, #tpu.memory_space<hbm>>, %arg3: memref<128x128xf32, #tpu.memory_space<hbm>>, %arg4: memref<10240x128xf32, #tpu.memory_space<hbm>>, %arg5: memref<2x10240x128xf32, #tpu.memory_space<hbm>>, %arg6: memref<79x128xi32, #tpu.memory_space<vmem>>, %arg7: memref<128x128xf32, #tpu.memory_space<vmem>>, %arg8: memref<10240x128xf32, #tpu.memory_space<vmem_shared>>) attributes {dimension_semantics = [#tpu.dimension_semantics<core_parallel>, #tpu.dimension_semantics<subcore_parallel>], iteration_bounds = array<i64: 2, 16>, scalar_prefetch = 0 : i64, scratch_operands = 3 : i64, tpu.core_type = #tpu.core_type<sc_vector_subcore>, window_params = [{transform_indices = #map}, {transform_indices = #map1}, {transform_indices = #map1}, {transform_indices = #map}]} {
    %mul3A = arith.constant 16 : i32
    %mul3A_0 = arith.muli %arg0, %mul3A : i32
    %add3A = arith.addi %mul3A_0, %arg1 : i32
    %mul3A_1 = arith.constant 640 : i32
    %mul3A_2 = arith.muli %arg1, %mul3A_1 : i32
    %eq3A = arith.constant 0 : i32
    %eq3A_3 = arith.cmpi eq, %arg0, %eq3A : i32
    %jit3A = arith.constant 78 : i32
    %jit3A_4 = arith.constant 79 : i32
    %select_n3A = arith.select %eq3A_3, %jit3A, %jit3A_4 : i32
    "tpu.region"() ({
      %run_scoped3A = tpu.sem_alloc : memref<!tpu.dma_semaphore, #tpu.memory_space<semaphore_mem>>
      %dma_start3A = arith.constant 0 : i32
      %dma_start3A_15 = tpu.memref_slice %arg8[%mul3A_2, %dma_start3A] : memref<10240x128xf32, #tpu.memory_space<vmem_shared>> -> memref<640x128xf32, #tpu.memory_space<vmem_shared>>
      %dma_start3A_16 = arith.constant 0 : i32
      %dma_start3A_17 = tpu.memref_slice %arg4[%mul3A_2, %dma_start3A_16] : memref<10240x128xf32, #tpu.memory_space<hbm>> -> memref<640x128xf32, #tpu.memory_space<hbm>>
      tpu.enqueue_dma source(%dma_start3A_17 : memref<640x128xf32, #tpu.memory_space<hbm>>) target(%dma_start3A_15 : memref<640x128xf32, #tpu.memory_space<vmem_shared>>) target_semaphore(%run_scoped3A : memref<!tpu.dma_semaphore, #tpu.memory_space<semaphore_mem>>)
      %dma_wait3A = arith.constant 0 : i32
      %dma_wait3A_18 = tpu.memref_slice %arg8[%mul3A_2, %dma_wait3A] : memref<10240x128xf32, #tpu.memory_space<vmem_shared>> -> memref<640x128xf32, #tpu.memory_space<vmem_shared>>
      %dma_wait3A_19 = arith.constant 0 : i32
      %dma_wait3A_20 = tpu.memref_slice %arg4[%mul3A_2, %dma_wait3A_19] : memref<10240x128xf32, #tpu.memory_space<hbm>> -> memref<640x128xf32, #tpu.memory_space<hbm>>
      tpu.wait_dma2 semaphore(%run_scoped3A : memref<!tpu.dma_semaphore, #tpu.memory_space<semaphore_mem>>) src(%dma_wait3A_20 : memref<640x128xf32, #tpu.memory_space<hbm>>) dst(%dma_wait3A_18 : memref<640x128xf32, #tpu.memory_space<vmem_shared>>)
      tpu.yield
    }) : () -> ()
    "tpu.region"() ({
      %run_scoped3A = tpu.sem_alloc : memref<!tpu.dma_semaphore, #tpu.memory_space<semaphore_mem>>
      tpu.enqueue_dma source(%arg3 : memref<128x128xf32, #tpu.memory_space<hbm>>) target(%arg7 : memref<128x128xf32, #tpu.memory_space<vmem>>) target_semaphore(%run_scoped3A : memref<!tpu.dma_semaphore, #tpu.memory_space<semaphore_mem>>)
      tpu.wait_dma2 semaphore(%run_scoped3A : memref<!tpu.dma_semaphore, #tpu.memory_space<semaphore_mem>>) src(%arg3 : memref<128x128xf32, #tpu.memory_space<hbm>>) dst(%arg7 : memref<128x128xf32, #tpu.memory_space<vmem>>)
      tpu.yield
    }) : () -> ()
    "tpu.region"() ({
      %run_scoped3A = tpu.sem_alloc : memref<!tpu.dma_semaphore, #tpu.memory_space<semaphore_mem>>
      %dma_start3A = arith.constant 0 : i32
      %dma_start3A_15 = arith.constant 0 : i32
      %dma_start3A_16 = tpu.memref_slice %arg2[%add3A, %dma_start3A, %dma_start3A_15] : memref<32x79x128xi32, #tpu.memory_space<hbm>> -> memref<1x79x128xi32, #tpu.memory_space<hbm>>
      %dma_start3A_17 = tpu.memref_squeeze %dma_start3A_16 : memref<1x79x128xi32, #tpu.memory_space<hbm>> -> memref<79x128xi32, #tpu.memory_space<hbm>>
      %dma_start3A_18 = arith.constant 0 : i32
      %dma_start3A_19 = arith.constant 0 : i32
      %dma_start3A_20 = tpu.memref_slice %arg2[%add3A, %dma_start3A_18, %dma_start3A_19] : memref<32x79x128xi32, #tpu.memory_space<hbm>> -> memref<1x79x128xi32, #tpu.memory_space<hbm>>
      %dma_start3A_21 = tpu.memref_squeeze %dma_start3A_20 : memref<1x79x128xi32, #tpu.memory_space<hbm>> -> memref<79x128xi32, #tpu.memory_space<hbm>>
      tpu.enqueue_dma source(%dma_start3A_21 : memref<79x128xi32, #tpu.memory_space<hbm>>) target(%arg6 : memref<79x128xi32, #tpu.memory_space<vmem>>) target_semaphore(%run_scoped3A : memref<!tpu.dma_semaphore, #tpu.memory_space<semaphore_mem>>)
      %dma_wait3A = arith.constant 0 : i32
      %dma_wait3A_22 = arith.constant 0 : i32
      %dma_wait3A_23 = tpu.memref_slice %arg2[%add3A, %dma_wait3A, %dma_wait3A_22] : memref<32x79x128xi32, #tpu.memory_space<hbm>> -> memref<1x79x128xi32, #tpu.memory_space<hbm>>
      %dma_wait3A_24 = tpu.memref_squeeze %dma_wait3A_23 : memref<1x79x128xi32, #tpu.memory_space<hbm>> -> memref<79x128xi32, #tpu.memory_space<hbm>>
      %dma_wait3A_25 = arith.constant 0 : i32
      %dma_wait3A_26 = arith.constant 0 : i32
      %dma_wait3A_27 = tpu.memref_slice %arg2[%add3A, %dma_wait3A_25, %dma_wait3A_26] : memref<32x79x128xi32, #tpu.memory_space<hbm>> -> memref<1x79x128xi32, #tpu.memory_space<hbm>>
      %dma_wait3A_28 = tpu.memref_squeeze %dma_wait3A_27 : memref<1x79x128xi32, #tpu.memory_space<hbm>> -> memref<79x128xi32, #tpu.memory_space<hbm>>
      tpu.wait_dma2 semaphore(%run_scoped3A : memref<!tpu.dma_semaphore, #tpu.memory_space<semaphore_mem>>) src(%dma_wait3A_28 : memref<79x128xi32, #tpu.memory_space<hbm>>) dst(%arg6 : memref<79x128xi32, #tpu.memory_space<vmem>>)
      tpu.yield
    }) : () -> ()
    %barrier3A = arith.constant 0 : index
    tpu.barrier barrier_id(%barrier3A)
    %while3A = arith.constant 0 : i32
    %while3A_5 = arith.constant 0 : i32
    %while3A_6 = arith.subi %select_n3A, %while3A_5 : i32
    %while3A_7 = arith.addi %while3A_5, %while3A_6 : i32
    %while3A_8 = arith.constant 1 : i32
    %while3A_9 = arith.divsi %while3A_6, %while3A_8 : i32
    %while3A_10 = arith.muli %while3A_9, %while3A_8 : i32
    %while3A_11 = arith.addi %while3A_5, %while3A_10 : i32
    %while3A_12 = arith.constant 1 : i32
    scf.for %while3A_15 = %while3A_5 to %while3A_11 step %while3A_12  : i32 {
      "tpu.region"() ({
        %run_scoped3A = tpu.sem_alloc : memref<!tpu.dma_semaphore, #tpu.memory_space<semaphore_mem>>
        %dma_start3A = arith.constant 0 : i32
        %dma_start3A_16 = tpu.memref_slice %arg6[%while3A_15, %dma_start3A] : memref<79x128xi32, #tpu.memory_space<vmem>> -> memref<1x128xi32, #tpu.memory_space<vmem>>
        %dma_start3A_17 = tpu.memref_squeeze %dma_start3A_16 : memref<1x128xi32, #tpu.memory_space<vmem>> -> memref<128xi32, #tpu.memory_space<vmem>>
        %dma_start3A_18 = arith.constant 0 : i32
        %dma_start3A_19 = arith.constant 0 : i32
        %dma_start3A_20 = tpu.memref_slice %arg8[%dma_start3A_18, %dma_start3A_19] : memref<10240x128xf32, #tpu.memory_space<vmem_shared>> -> memref<10240x128xf32, #tpu.memory_space<vmem_shared>>
        tpu.enqueue_indirect_dma source(%arg7 : memref<128x128xf32, #tpu.memory_space<vmem>>) target(%dma_start3A_20 : memref<10240x128xf32, #tpu.memory_space<vmem_shared>>) offsets(%dma_start3A_17 : memref<128xi32, #tpu.memory_space<vmem>>) semaphore(%run_scoped3A : memref<!tpu.dma_semaphore, #tpu.memory_space<semaphore_mem>>) {add = true}
        %dma_wait3A = arith.constant 0 : i32
        %dma_wait3A_21 = tpu.memref_slice %arg6[%while3A_15, %dma_wait3A] : memref<79x128xi32, #tpu.memory_space<vmem>> -> memref<1x128xi32, #tpu.memory_space<vmem>>
        %dma_wait3A_22 = tpu.memref_squeeze %dma_wait3A_21 : memref<1x128xi32, #tpu.memory_space<vmem>> -> memref<128xi32, #tpu.memory_space<vmem>>
        %dma_wait3A_23 = arith.constant 0 : i32
        %dma_wait3A_24 = arith.constant 0 : i32
        %dma_wait3A_25 = tpu.memref_slice %arg8[%dma_wait3A_23, %dma_wait3A_24] : memref<10240x128xf32, #tpu.memory_space<vmem_shared>> -> memref<10240x128xf32, #tpu.memory_space<vmem_shared>>
        tpu.wait_indirect_dma semaphore(%run_scoped3A : memref<!tpu.dma_semaphore, #tpu.memory_space<semaphore_mem>>) src(%arg7 : memref<128x128xf32, #tpu.memory_space<vmem>>) dst(%dma_wait3A_25 : memref<10240x128xf32, #tpu.memory_space<vmem_shared>>)
        tpu.yield
      }) : () -> ()
    }
    %while3A_13 = arith.constant 1 : i32
    scf.for %while3A_15 = %while3A_11 to %while3A_7 step %while3A_13  : i32 {
      "tpu.region"() ({
        %run_scoped3A = tpu.sem_alloc : memref<!tpu.dma_semaphore, #tpu.memory_space<semaphore_mem>>
        %dma_start3A = arith.constant 0 : i32
        %dma_start3A_16 = tpu.memref_slice %arg6[%while3A_15, %dma_start3A] : memref<79x128xi32, #tpu.memory_space<vmem>> -> memref<1x128xi32, #tpu.memory_space<vmem>>
        %dma_start3A_17 = tpu.memref_squeeze %dma_start3A_16 : memref<1x128xi32, #tpu.memory_space<vmem>> -> memref<128xi32, #tpu.memory_space<vmem>>
        %dma_start3A_18 = arith.constant 0 : i32
        %dma_start3A_19 = arith.constant 0 : i32
        %dma_start3A_20 = tpu.memref_slice %arg8[%dma_start3A_18, %dma_start3A_19] : memref<10240x128xf32, #tpu.memory_space<vmem_shared>> -> memref<10240x128xf32, #tpu.memory_space<vmem_shared>>
        tpu.enqueue_indirect_dma source(%arg7 : memref<128x128xf32, #tpu.memory_space<vmem>>) target(%dma_start3A_20 : memref<10240x128xf32, #tpu.memory_space<vmem_shared>>) offsets(%dma_start3A_17 : memref<128xi32, #tpu.memory_space<vmem>>) semaphore(%run_scoped3A : memref<!tpu.dma_semaphore, #tpu.memory_space<semaphore_mem>>) {add = true}
        %dma_wait3A = arith.constant 0 : i32
        %dma_wait3A_21 = tpu.memref_slice %arg6[%while3A_15, %dma_wait3A] : memref<79x128xi32, #tpu.memory_space<vmem>> -> memref<1x128xi32, #tpu.memory_space<vmem>>
        %dma_wait3A_22 = tpu.memref_squeeze %dma_wait3A_21 : memref<1x128xi32, #tpu.memory_space<vmem>> -> memref<128xi32, #tpu.memory_space<vmem>>
        %dma_wait3A_23 = arith.constant 0 : i32
        %dma_wait3A_24 = arith.constant 0 : i32
        %dma_wait3A_25 = tpu.memref_slice %arg8[%dma_wait3A_23, %dma_wait3A_24] : memref<10240x128xf32, #tpu.memory_space<vmem_shared>> -> memref<10240x128xf32, #tpu.memory_space<vmem_shared>>
        tpu.wait_indirect_dma semaphore(%run_scoped3A : memref<!tpu.dma_semaphore, #tpu.memory_space<semaphore_mem>>) src(%arg7 : memref<128x128xf32, #tpu.memory_space<vmem>>) dst(%dma_wait3A_25 : memref<10240x128xf32, #tpu.memory_space<vmem_shared>>)
        tpu.yield
      }) : () -> ()
    }
    %barrier3A_14 = arith.constant 0 : index
    tpu.barrier barrier_id(%barrier3A_14)
    "tpu.region"() ({
      %run_scoped3A = tpu.sem_alloc : memref<!tpu.dma_semaphore, #tpu.memory_space<semaphore_mem>>
      %dma_start3A = arith.constant 0 : i32
      %dma_start3A_15 = tpu.memref_slice %arg5[%arg0, %mul3A_2, %dma_start3A] : memref<2x10240x128xf32, #tpu.memory_space<hbm>> -> memref<1x640x128xf32, #tpu.memory_space<hbm>>
      %dma_start3A_16 = tpu.memref_squeeze %dma_start3A_15 : memref<1x640x128xf32, #tpu.memory_space<hbm>> -> memref<640x128xf32, #tpu.memory_space<hbm>>
      %dma_start3A_17 = arith.constant 0 : i32
      %dma_start3A_18 = tpu.memref_slice %arg8[%mul3A_2, %dma_start3A_17] : memref<10240x128xf32, #tpu.memory_space<vmem_shared>> -> memref<640x128xf32, #tpu.memory_space<vmem_shared>>
      tpu.enqueue_dma source(%dma_start3A_18 : memref<640x128xf32, #tpu.memory_space<vmem_shared>>) target(%dma_start3A_16 : memref<640x128xf32, #tpu.memory_space<hbm>>) target_semaphore(%run_scoped3A : memref<!tpu.dma_semaphore, #tpu.memory_space<semaphore_mem>>)
      %dma_wait3A = arith.constant 0 : i32
      %dma_wait3A_19 = tpu.memref_slice %arg5[%arg0, %mul3A_2, %dma_wait3A] : memref<2x10240x128xf32, #tpu.memory_space<hbm>> -> memref<1x640x128xf32, #tpu.memory_space<hbm>>
      %dma_wait3A_20 = tpu.memref_squeeze %dma_wait3A_19 : memref<1x640x128xf32, #tpu.memory_space<hbm>> -> memref<640x128xf32, #tpu.memory_space<hbm>>
      %dma_wait3A_21 = arith.constant 0 : i32
      %dma_wait3A_22 = tpu.memref_slice %arg8[%mul3A_2, %dma_wait3A_21] : memref<10240x128xf32, #tpu.memory_space<vmem_shared>> -> memref<640x128xf32, #tpu.memory_space<vmem_shared>>
      tpu.wait_dma2 semaphore(%run_scoped3A : memref<!tpu.dma_semaphore, #tpu.memory_space<semaphore_mem>>) src(%dma_wait3A_22 : memref<640x128xf32, #tpu.memory_space<vmem_shared>>) dst(%dma_wait3A_20 : memref<640x128xf32, #tpu.memory_space<hbm>>)
      tpu.yield
    }) : () -> ()
    return
  }
}

#map = affine_map<(d0, d1) -> (0, 0)>
#map1 = affine_map<(d0, d1) -> (0, 0, 0)>
module attributes {stable_mosaic.version = 14 : i64} {
  func.func @_seg_body(%arg0: i32, %arg1: i32, %arg2: memref<10240x128xf32, #tpu.memory_space<hbm>>, %arg3: memref<32x92x128xi32, #tpu.memory_space<hbm>>, %arg4: memref<32x92x128xi32, #tpu.memory_space<hbm>>, %arg5: memref<10240x128xf32, #tpu.memory_space<hbm>>, %arg6: memref<2x10240x128xf32, #tpu.memory_space<hbm>>, %arg7: memref<92x128xi32, #tpu.memory_space<vmem>>, %arg8: memref<92x128xi32, #tpu.memory_space<vmem>>, %arg9: memref<128x128xf32, #tpu.memory_space<vmem>>, %arg10: memref<!tpu.dma_semaphore, #tpu.memory_space<semaphore_mem>>, %arg11: memref<10240x128xf32, #tpu.memory_space<vmem_shared>>) attributes {dimension_semantics = [#tpu.dimension_semantics<core_parallel>, #tpu.dimension_semantics<subcore_parallel>], iteration_bounds = array<i64: 2, 16>, scalar_prefetch = 0 : i64, scratch_operands = 5 : i64, tpu.core_type = #tpu.core_type<sc_vector_subcore>, window_params = [{transform_indices = #map}, {transform_indices = #map1}, {transform_indices = #map1}, {transform_indices = #map}, {transform_indices = #map1}]} {
    %mul3A = arith.constant 16 : i32
    %mul3A_0 = arith.muli %arg0, %mul3A : i32
    %add3A = arith.addi %mul3A_0, %arg1 : i32
    %mul3A_1 = arith.constant 640 : i32
    %mul3A_2 = arith.muli %arg1, %mul3A_1 : i32
    %eq3A = arith.constant 0 : i32
    %eq3A_3 = arith.cmpi eq, %arg0, %eq3A : i32
    %jit3A = arith.constant 92 : i32
    %jit3A_4 = arith.constant 65 : i32
    %select_n3A = arith.select %eq3A_3, %jit3A, %jit3A_4 : i32
    "tpu.region"() ({
      %run_scoped3A = tpu.sem_alloc : memref<!tpu.dma_semaphore, #tpu.memory_space<semaphore_mem>>
      %dma_start3A = arith.constant 0 : i32
      %dma_start3A_15 = tpu.memref_slice %arg11[%mul3A_2, %dma_start3A] : memref<10240x128xf32, #tpu.memory_space<vmem_shared>> -> memref<640x128xf32, #tpu.memory_space<vmem_shared>>
      %dma_start3A_16 = arith.constant 0 : i32
      %dma_start3A_17 = tpu.memref_slice %arg5[%mul3A_2, %dma_start3A_16] : memref<10240x128xf32, #tpu.memory_space<hbm>> -> memref<640x128xf32, #tpu.memory_space<hbm>>
      tpu.enqueue_dma source(%dma_start3A_17 : memref<640x128xf32, #tpu.memory_space<hbm>>) target(%dma_start3A_15 : memref<640x128xf32, #tpu.memory_space<vmem_shared>>) target_semaphore(%run_scoped3A : memref<!tpu.dma_semaphore, #tpu.memory_space<semaphore_mem>>)
      %dma_wait3A = arith.constant 0 : i32
      %dma_wait3A_18 = tpu.memref_slice %arg11[%mul3A_2, %dma_wait3A] : memref<10240x128xf32, #tpu.memory_space<vmem_shared>> -> memref<640x128xf32, #tpu.memory_space<vmem_shared>>
      %dma_wait3A_19 = arith.constant 0 : i32
      %dma_wait3A_20 = tpu.memref_slice %arg5[%mul3A_2, %dma_wait3A_19] : memref<10240x128xf32, #tpu.memory_space<hbm>> -> memref<640x128xf32, #tpu.memory_space<hbm>>
      tpu.wait_dma2 semaphore(%run_scoped3A : memref<!tpu.dma_semaphore, #tpu.memory_space<semaphore_mem>>) src(%dma_wait3A_20 : memref<640x128xf32, #tpu.memory_space<hbm>>) dst(%dma_wait3A_18 : memref<640x128xf32, #tpu.memory_space<vmem_shared>>)
      tpu.yield
    }) : () -> ()
    "tpu.region"() ({
      %run_scoped3A = tpu.sem_alloc : memref<!tpu.dma_semaphore, #tpu.memory_space<semaphore_mem>>
      %dma_start3A = arith.constant 0 : i32
      %dma_start3A_15 = arith.constant 0 : i32
      %dma_start3A_16 = tpu.memref_slice %arg3[%add3A, %dma_start3A, %dma_start3A_15] : memref<32x92x128xi32, #tpu.memory_space<hbm>> -> memref<1x92x128xi32, #tpu.memory_space<hbm>>
      %dma_start3A_17 = tpu.memref_squeeze %dma_start3A_16 : memref<1x92x128xi32, #tpu.memory_space<hbm>> -> memref<92x128xi32, #tpu.memory_space<hbm>>
      %dma_start3A_18 = arith.constant 0 : i32
      %dma_start3A_19 = arith.constant 0 : i32
      %dma_start3A_20 = tpu.memref_slice %arg3[%add3A, %dma_start3A_18, %dma_start3A_19] : memref<32x92x128xi32, #tpu.memory_space<hbm>> -> memref<1x92x128xi32, #tpu.memory_space<hbm>>
      %dma_start3A_21 = tpu.memref_squeeze %dma_start3A_20 : memref<1x92x128xi32, #tpu.memory_space<hbm>> -> memref<92x128xi32, #tpu.memory_space<hbm>>
      tpu.enqueue_dma source(%dma_start3A_21 : memref<92x128xi32, #tpu.memory_space<hbm>>) target(%arg7 : memref<92x128xi32, #tpu.memory_space<vmem>>) target_semaphore(%run_scoped3A : memref<!tpu.dma_semaphore, #tpu.memory_space<semaphore_mem>>)
      %dma_wait3A = arith.constant 0 : i32
      %dma_wait3A_22 = arith.constant 0 : i32
      %dma_wait3A_23 = tpu.memref_slice %arg3[%add3A, %dma_wait3A, %dma_wait3A_22] : memref<32x92x128xi32, #tpu.memory_space<hbm>> -> memref<1x92x128xi32, #tpu.memory_space<hbm>>
      %dma_wait3A_24 = tpu.memref_squeeze %dma_wait3A_23 : memref<1x92x128xi32, #tpu.memory_space<hbm>> -> memref<92x128xi32, #tpu.memory_space<hbm>>
      %dma_wait3A_25 = arith.constant 0 : i32
      %dma_wait3A_26 = arith.constant 0 : i32
      %dma_wait3A_27 = tpu.memref_slice %arg3[%add3A, %dma_wait3A_25, %dma_wait3A_26] : memref<32x92x128xi32, #tpu.memory_space<hbm>> -> memref<1x92x128xi32, #tpu.memory_space<hbm>>
      %dma_wait3A_28 = tpu.memref_squeeze %dma_wait3A_27 : memref<1x92x128xi32, #tpu.memory_space<hbm>> -> memref<92x128xi32, #tpu.memory_space<hbm>>
      tpu.wait_dma2 semaphore(%run_scoped3A : memref<!tpu.dma_semaphore, #tpu.memory_space<semaphore_mem>>) src(%dma_wait3A_28 : memref<92x128xi32, #tpu.memory_space<hbm>>) dst(%arg7 : memref<92x128xi32, #tpu.memory_space<vmem>>)
      tpu.yield
    }) : () -> ()
    "tpu.region"() ({
      %run_scoped3A = tpu.sem_alloc : memref<!tpu.dma_semaphore, #tpu.memory_space<semaphore_mem>>
      %dma_start3A = arith.constant 0 : i32
      %dma_start3A_15 = arith.constant 0 : i32
      %dma_start3A_16 = tpu.memref_slice %arg4[%add3A, %dma_start3A, %dma_start3A_15] : memref<32x92x128xi32, #tpu.memory_space<hbm>> -> memref<1x92x128xi32, #tpu.memory_space<hbm>>
      %dma_start3A_17 = tpu.memref_squeeze %dma_start3A_16 : memref<1x92x128xi32, #tpu.memory_space<hbm>> -> memref<92x128xi32, #tpu.memory_space<hbm>>
      %dma_start3A_18 = arith.constant 0 : i32
      %dma_start3A_19 = arith.constant 0 : i32
      %dma_start3A_20 = tpu.memref_slice %arg4[%add3A, %dma_start3A_18, %dma_start3A_19] : memref<32x92x128xi32, #tpu.memory_space<hbm>> -> memref<1x92x128xi32, #tpu.memory_space<hbm>>
      %dma_start3A_21 = tpu.memref_squeeze %dma_start3A_20 : memref<1x92x128xi32, #tpu.memory_space<hbm>> -> memref<92x128xi32, #tpu.memory_space<hbm>>
      tpu.enqueue_dma source(%dma_start3A_21 : memref<92x128xi32, #tpu.memory_space<hbm>>) target(%arg8 : memref<92x128xi32, #tpu.memory_space<vmem>>) target_semaphore(%run_scoped3A : memref<!tpu.dma_semaphore, #tpu.memory_space<semaphore_mem>>)
      %dma_wait3A = arith.constant 0 : i32
      %dma_wait3A_22 = arith.constant 0 : i32
      %dma_wait3A_23 = tpu.memref_slice %arg4[%add3A, %dma_wait3A, %dma_wait3A_22] : memref<32x92x128xi32, #tpu.memory_space<hbm>> -> memref<1x92x128xi32, #tpu.memory_space<hbm>>
      %dma_wait3A_24 = tpu.memref_squeeze %dma_wait3A_23 : memref<1x92x128xi32, #tpu.memory_space<hbm>> -> memref<92x128xi32, #tpu.memory_space<hbm>>
      %dma_wait3A_25 = arith.constant 0 : i32
      %dma_wait3A_26 = arith.constant 0 : i32
      %dma_wait3A_27 = tpu.memref_slice %arg4[%add3A, %dma_wait3A_25, %dma_wait3A_26] : memref<32x92x128xi32, #tpu.memory_space<hbm>> -> memref<1x92x128xi32, #tpu.memory_space<hbm>>
      %dma_wait3A_28 = tpu.memref_squeeze %dma_wait3A_27 : memref<1x92x128xi32, #tpu.memory_space<hbm>> -> memref<92x128xi32, #tpu.memory_space<hbm>>
      tpu.wait_dma2 semaphore(%run_scoped3A : memref<!tpu.dma_semaphore, #tpu.memory_space<semaphore_mem>>) src(%dma_wait3A_28 : memref<92x128xi32, #tpu.memory_space<hbm>>) dst(%arg8 : memref<92x128xi32, #tpu.memory_space<vmem>>)
      tpu.yield
    }) : () -> ()
    %barrier3A = arith.constant 0 : index
    tpu.barrier barrier_id(%barrier3A)
    %while3A = arith.constant 0 : i32
    %while3A_5 = arith.constant 0 : i32
    %while3A_6 = arith.subi %select_n3A, %while3A_5 : i32
    %while3A_7 = arith.addi %while3A_5, %while3A_6 : i32
    %while3A_8 = arith.constant 1 : i32
    %while3A_9 = arith.divsi %while3A_6, %while3A_8 : i32
    %while3A_10 = arith.muli %while3A_9, %while3A_8 : i32
    %while3A_11 = arith.addi %while3A_5, %while3A_10 : i32
    %while3A_12 = arith.constant 1 : i32
    scf.for %while3A_15 = %while3A_5 to %while3A_11 step %while3A_12  : i32 {
      %dma_start3A = arith.constant 0 : i32
      %dma_start3A_16 = tpu.memref_slice %arg7[%while3A_15, %dma_start3A] : memref<92x128xi32, #tpu.memory_space<vmem>> -> memref<1x128xi32, #tpu.memory_space<vmem>>
      %dma_start3A_17 = tpu.memref_squeeze %dma_start3A_16 : memref<1x128xi32, #tpu.memory_space<vmem>> -> memref<128xi32, #tpu.memory_space<vmem>>
      %dma_start3A_18 = arith.constant 0 : i32
      %dma_start3A_19 = arith.constant 0 : i32
      %dma_start3A_20 = tpu.memref_slice %arg2[%dma_start3A_18, %dma_start3A_19] : memref<10240x128xf32, #tpu.memory_space<hbm>> -> memref<10240x128xf32, #tpu.memory_space<hbm>>
      tpu.enqueue_indirect_dma source(%dma_start3A_20 : memref<10240x128xf32, #tpu.memory_space<hbm>>) target(%arg9 : memref<128x128xf32, #tpu.memory_space<vmem>>) offsets(%dma_start3A_17 : memref<128xi32, #tpu.memory_space<vmem>>) semaphore(%arg10 : memref<!tpu.dma_semaphore, #tpu.memory_space<semaphore_mem>>)
      %dma_wait3A = arith.constant 0 : i32
      %dma_wait3A_21 = tpu.memref_slice %arg7[%while3A_15, %dma_wait3A] : memref<92x128xi32, #tpu.memory_space<vmem>> -> memref<1x128xi32, #tpu.memory_space<vmem>>
      %dma_wait3A_22 = tpu.memref_squeeze %dma_wait3A_21 : memref<1x128xi32, #tpu.memory_space<vmem>> -> memref<128xi32, #tpu.memory_space<vmem>>
      %dma_wait3A_23 = arith.constant 0 : i32
      %dma_wait3A_24 = arith.constant 0 : i32
      %dma_wait3A_25 = tpu.memref_slice %arg2[%dma_wait3A_23, %dma_wait3A_24] : memref<10240x128xf32, #tpu.memory_space<hbm>> -> memref<10240x128xf32, #tpu.memory_space<hbm>>
      tpu.wait_indirect_dma semaphore(%arg10 : memref<!tpu.dma_semaphore, #tpu.memory_space<semaphore_mem>>) src(%dma_wait3A_25 : memref<10240x128xf32, #tpu.memory_space<hbm>>) dst(%arg9 : memref<128x128xf32, #tpu.memory_space<vmem>>)
      "tpu.region"() ({
        %run_scoped3A = tpu.sem_alloc : memref<!tpu.dma_semaphore, #tpu.memory_space<semaphore_mem>>
        %dma_start3A_26 = arith.constant 0 : i32
        %dma_start3A_27 = tpu.memref_slice %arg8[%while3A_15, %dma_start3A_26] : memref<92x128xi32, #tpu.memory_space<vmem>> -> memref<1x128xi32, #tpu.memory_space<vmem>>
        %dma_start3A_28 = tpu.memref_squeeze %dma_start3A_27 : memref<1x128xi32, #tpu.memory_space<vmem>> -> memref<128xi32, #tpu.memory_space<vmem>>
        %dma_start3A_29 = arith.constant 0 : i32
        %dma_start3A_30 = arith.constant 0 : i32
        %dma_start3A_31 = tpu.memref_slice %arg11[%dma_start3A_29, %dma_start3A_30] : memref<10240x128xf32, #tpu.memory_space<vmem_shared>> -> memref<10240x128xf32, #tpu.memory_space<vmem_shared>>
        tpu.enqueue_indirect_dma source(%arg9 : memref<128x128xf32, #tpu.memory_space<vmem>>) target(%dma_start3A_31 : memref<10240x128xf32, #tpu.memory_space<vmem_shared>>) offsets(%dma_start3A_28 : memref<128xi32, #tpu.memory_space<vmem>>) semaphore(%run_scoped3A : memref<!tpu.dma_semaphore, #tpu.memory_space<semaphore_mem>>) {add = true}
        %dma_wait3A_32 = arith.constant 0 : i32
        %dma_wait3A_33 = tpu.memref_slice %arg8[%while3A_15, %dma_wait3A_32] : memref<92x128xi32, #tpu.memory_space<vmem>> -> memref<1x128xi32, #tpu.memory_space<vmem>>
        %dma_wait3A_34 = tpu.memref_squeeze %dma_wait3A_33 : memref<1x128xi32, #tpu.memory_space<vmem>> -> memref<128xi32, #tpu.memory_space<vmem>>
        %dma_wait3A_35 = arith.constant 0 : i32
        %dma_wait3A_36 = arith.constant 0 : i32
        %dma_wait3A_37 = tpu.memref_slice %arg11[%dma_wait3A_35, %dma_wait3A_36] : memref<10240x128xf32, #tpu.memory_space<vmem_shared>> -> memref<10240x128xf32, #tpu.memory_space<vmem_shared>>
        tpu.wait_indirect_dma semaphore(%run_scoped3A : memref<!tpu.dma_semaphore, #tpu.memory_space<semaphore_mem>>) src(%arg9 : memref<128x128xf32, #tpu.memory_space<vmem>>) dst(%dma_wait3A_37 : memref<10240x128xf32, #tpu.memory_space<vmem_shared>>)
        tpu.yield
      }) : () -> ()
    }
    %while3A_13 = arith.constant 1 : i32
    scf.for %while3A_15 = %while3A_11 to %while3A_7 step %while3A_13  : i32 {
      %dma_start3A = arith.constant 0 : i32
      %dma_start3A_16 = tpu.memref_slice %arg7[%while3A_15, %dma_start3A] : memref<92x128xi32, #tpu.memory_space<vmem>> -> memref<1x128xi32, #tpu.memory_space<vmem>>
      %dma_start3A_17 = tpu.memref_squeeze %dma_start3A_16 : memref<1x128xi32, #tpu.memory_space<vmem>> -> memref<128xi32, #tpu.memory_space<vmem>>
      %dma_start3A_18 = arith.constant 0 : i32
      %dma_start3A_19 = arith.constant 0 : i32
      %dma_start3A_20 = tpu.memref_slice %arg2[%dma_start3A_18, %dma_start3A_19] : memref<10240x128xf32, #tpu.memory_space<hbm>> -> memref<10240x128xf32, #tpu.memory_space<hbm>>
      tpu.enqueue_indirect_dma source(%dma_start3A_20 : memref<10240x128xf32, #tpu.memory_space<hbm>>) target(%arg9 : memref<128x128xf32, #tpu.memory_space<vmem>>) offsets(%dma_start3A_17 : memref<128xi32, #tpu.memory_space<vmem>>) semaphore(%arg10 : memref<!tpu.dma_semaphore, #tpu.memory_space<semaphore_mem>>)
      %dma_wait3A = arith.constant 0 : i32
      %dma_wait3A_21 = tpu.memref_slice %arg7[%while3A_15, %dma_wait3A] : memref<92x128xi32, #tpu.memory_space<vmem>> -> memref<1x128xi32, #tpu.memory_space<vmem>>
      %dma_wait3A_22 = tpu.memref_squeeze %dma_wait3A_21 : memref<1x128xi32, #tpu.memory_space<vmem>> -> memref<128xi32, #tpu.memory_space<vmem>>
      %dma_wait3A_23 = arith.constant 0 : i32
      %dma_wait3A_24 = arith.constant 0 : i32
      %dma_wait3A_25 = tpu.memref_slice %arg2[%dma_wait3A_23, %dma_wait3A_24] : memref<10240x128xf32, #tpu.memory_space<hbm>> -> memref<10240x128xf32, #tpu.memory_space<hbm>>
      tpu.wait_indirect_dma semaphore(%arg10 : memref<!tpu.dma_semaphore, #tpu.memory_space<semaphore_mem>>) src(%dma_wait3A_25 : memref<10240x128xf32, #tpu.memory_space<hbm>>) dst(%arg9 : memref<128x128xf32, #tpu.memory_space<vmem>>)
      "tpu.region"() ({
        %run_scoped3A = tpu.sem_alloc : memref<!tpu.dma_semaphore, #tpu.memory_space<semaphore_mem>>
        %dma_start3A_26 = arith.constant 0 : i32
        %dma_start3A_27 = tpu.memref_slice %arg8[%while3A_15, %dma_start3A_26] : memref<92x128xi32, #tpu.memory_space<vmem>> -> memref<1x128xi32, #tpu.memory_space<vmem>>
        %dma_start3A_28 = tpu.memref_squeeze %dma_start3A_27 : memref<1x128xi32, #tpu.memory_space<vmem>> -> memref<128xi32, #tpu.memory_space<vmem>>
        %dma_start3A_29 = arith.constant 0 : i32
        %dma_start3A_30 = arith.constant 0 : i32
        %dma_start3A_31 = tpu.memref_slice %arg11[%dma_start3A_29, %dma_start3A_30] : memref<10240x128xf32, #tpu.memory_space<vmem_shared>> -> memref<10240x128xf32, #tpu.memory_space<vmem_shared>>
        tpu.enqueue_indirect_dma source(%arg9 : memref<128x128xf32, #tpu.memory_space<vmem>>) target(%dma_start3A_31 : memref<10240x128xf32, #tpu.memory_space<vmem_shared>>) offsets(%dma_start3A_28 : memref<128xi32, #tpu.memory_space<vmem>>) semaphore(%run_scoped3A : memref<!tpu.dma_semaphore, #tpu.memory_space<semaphore_mem>>) {add = true}
        %dma_wait3A_32 = arith.constant 0 : i32
        %dma_wait3A_33 = tpu.memref_slice %arg8[%while3A_15, %dma_wait3A_32] : memref<92x128xi32, #tpu.memory_space<vmem>> -> memref<1x128xi32, #tpu.memory_space<vmem>>
        %dma_wait3A_34 = tpu.memref_squeeze %dma_wait3A_33 : memref<1x128xi32, #tpu.memory_space<vmem>> -> memref<128xi32, #tpu.memory_space<vmem>>
        %dma_wait3A_35 = arith.constant 0 : i32
        %dma_wait3A_36 = arith.constant 0 : i32
        %dma_wait3A_37 = tpu.memref_slice %arg11[%dma_wait3A_35, %dma_wait3A_36] : memref<10240x128xf32, #tpu.memory_space<vmem_shared>> -> memref<10240x128xf32, #tpu.memory_space<vmem_shared>>
        tpu.wait_indirect_dma semaphore(%run_scoped3A : memref<!tpu.dma_semaphore, #tpu.memory_space<semaphore_mem>>) src(%arg9 : memref<128x128xf32, #tpu.memory_space<vmem>>) dst(%dma_wait3A_37 : memref<10240x128xf32, #tpu.memory_space<vmem_shared>>)
        tpu.yield
      }) : () -> ()
    }
    %barrier3A_14 = arith.constant 0 : index
    tpu.barrier barrier_id(%barrier3A_14)
    "tpu.region"() ({
      %run_scoped3A = tpu.sem_alloc : memref<!tpu.dma_semaphore, #tpu.memory_space<semaphore_mem>>
      %dma_start3A = arith.constant 0 : i32
      %dma_start3A_15 = tpu.memref_slice %arg6[%arg0, %mul3A_2, %dma_start3A] : memref<2x10240x128xf32, #tpu.memory_space<hbm>> -> memref<1x640x128xf32, #tpu.memory_space<hbm>>
      %dma_start3A_16 = tpu.memref_squeeze %dma_start3A_15 : memref<1x640x128xf32, #tpu.memory_space<hbm>> -> memref<640x128xf32, #tpu.memory_space<hbm>>
      %dma_start3A_17 = arith.constant 0 : i32
      %dma_start3A_18 = tpu.memref_slice %arg11[%mul3A_2, %dma_start3A_17] : memref<10240x128xf32, #tpu.memory_space<vmem_shared>> -> memref<640x128xf32, #tpu.memory_space<vmem_shared>>
      tpu.enqueue_dma source(%dma_start3A_18 : memref<640x128xf32, #tpu.memory_space<vmem_shared>>) target(%dma_start3A_16 : memref<640x128xf32, #tpu.memory_space<hbm>>) target_semaphore(%run_scoped3A : memref<!tpu.dma_semaphore, #tpu.memory_space<semaphore_mem>>)
      %dma_wait3A = arith.constant 0 : i32
      %dma_wait3A_19 = tpu.memref_slice %arg6[%arg0, %mul3A_2, %dma_wait3A] : memref<2x10240x128xf32, #tpu.memory_space<hbm>> -> memref<1x640x128xf32, #tpu.memory_space<hbm>>
      %dma_wait3A_20 = tpu.memref_squeeze %dma_wait3A_19 : memref<1x640x128xf32, #tpu.memory_space<hbm>> -> memref<640x128xf32, #tpu.memory_space<hbm>>
      %dma_wait3A_21 = arith.constant 0 : i32
      %dma_wait3A_22 = tpu.memref_slice %arg11[%mul3A_2, %dma_wait3A_21] : memref<10240x128xf32, #tpu.memory_space<vmem_shared>> -> memref<640x128xf32, #tpu.memory_space<vmem_shared>>
      tpu.wait_dma2 semaphore(%run_scoped3A : memref<!tpu.dma_semaphore, #tpu.memory_space<semaphore_mem>>) src(%dma_wait3A_22 : memref<640x128xf32, #tpu.memory_space<vmem_shared>>) dst(%dma_wait3A_20 : memref<640x128xf32, #tpu.memory_space<hbm>>)
      tpu.yield
    }) : () -> ()
    return
  }
}

#map = affine_map<(d0, d1) -> (0, 0)>
#map1 = affine_map<(d0, d1) -> (0, 0, 0)>
module attributes {stable_mosaic.version = 14 : i64} {
  func.func @_seg_body(%arg0: i32, %arg1: i32, %arg2: memref<10240x128xf32, #tpu.memory_space<hbm>>, %arg3: memref<32x92x128xi32, #tpu.memory_space<hbm>>, %arg4: memref<32x92x128xi32, #tpu.memory_space<hbm>>, %arg5: memref<10240x128xf32, #tpu.memory_space<hbm>>, %arg6: memref<2x10240x128xf32, #tpu.memory_space<hbm>>, %arg7: memref<92x128xi32, #tpu.memory_space<vmem>>, %arg8: memref<92x128xi32, #tpu.memory_space<vmem>>, %arg9: memref<128x128xf32, #tpu.memory_space<vmem>>, %arg10: memref<!tpu.dma_semaphore, #tpu.memory_space<semaphore_mem>>, %arg11: memref<10240x128xf32, #tpu.memory_space<vmem_shared>>) attributes {dimension_semantics = [#tpu.dimension_semantics<core_parallel>, #tpu.dimension_semantics<subcore_parallel>], iteration_bounds = array<i64: 2, 16>, scalar_prefetch = 0 : i64, scratch_operands = 5 : i64, tpu.core_type = #tpu.core_type<sc_vector_subcore>, window_params = [{transform_indices = #map}, {transform_indices = #map1}, {transform_indices = #map1}, {transform_indices = #map}, {transform_indices = #map1}]} {
    %mul3A = arith.constant 16 : i32
    %mul3A_0 = arith.muli %arg0, %mul3A : i32
    %add3A = arith.addi %mul3A_0, %arg1 : i32
    %mul3A_1 = arith.constant 640 : i32
    %mul3A_2 = arith.muli %arg1, %mul3A_1 : i32
    %eq3A = arith.constant 0 : i32
    %eq3A_3 = arith.cmpi eq, %arg0, %eq3A : i32
    %jit3A = arith.constant 92 : i32
    %jit3A_4 = arith.constant 65 : i32
    %select_n3A = arith.select %eq3A_3, %jit3A, %jit3A_4 : i32
    "tpu.region"() ({
      %run_scoped3A = tpu.sem_alloc : memref<!tpu.dma_semaphore, #tpu.memory_space<semaphore_mem>>
      %dma_start3A = arith.constant 0 : i32
      %dma_start3A_15 = tpu.memref_slice %arg11[%mul3A_2, %dma_start3A] : memref<10240x128xf32, #tpu.memory_space<vmem_shared>> -> memref<640x128xf32, #tpu.memory_space<vmem_shared>>
      %dma_start3A_16 = arith.constant 0 : i32
      %dma_start3A_17 = tpu.memref_slice %arg5[%mul3A_2, %dma_start3A_16] : memref<10240x128xf32, #tpu.memory_space<hbm>> -> memref<640x128xf32, #tpu.memory_space<hbm>>
      tpu.enqueue_dma source(%dma_start3A_17 : memref<640x128xf32, #tpu.memory_space<hbm>>) target(%dma_start3A_15 : memref<640x128xf32, #tpu.memory_space<vmem_shared>>) target_semaphore(%run_scoped3A : memref<!tpu.dma_semaphore, #tpu.memory_space<semaphore_mem>>)
      %dma_wait3A = arith.constant 0 : i32
      %dma_wait3A_18 = tpu.memref_slice %arg11[%mul3A_2, %dma_wait3A] : memref<10240x128xf32, #tpu.memory_space<vmem_shared>> -> memref<640x128xf32, #tpu.memory_space<vmem_shared>>
      %dma_wait3A_19 = arith.constant 0 : i32
      %dma_wait3A_20 = tpu.memref_slice %arg5[%mul3A_2, %dma_wait3A_19] : memref<10240x128xf32, #tpu.memory_space<hbm>> -> memref<640x128xf32, #tpu.memory_space<hbm>>
      tpu.wait_dma2 semaphore(%run_scoped3A : memref<!tpu.dma_semaphore, #tpu.memory_space<semaphore_mem>>) src(%dma_wait3A_20 : memref<640x128xf32, #tpu.memory_space<hbm>>) dst(%dma_wait3A_18 : memref<640x128xf32, #tpu.memory_space<vmem_shared>>)
      tpu.yield
    }) : () -> ()
    "tpu.region"() ({
      %run_scoped3A = tpu.sem_alloc : memref<!tpu.dma_semaphore, #tpu.memory_space<semaphore_mem>>
      %dma_start3A = arith.constant 0 : i32
      %dma_start3A_15 = arith.constant 0 : i32
      %dma_start3A_16 = tpu.memref_slice %arg3[%add3A, %dma_start3A, %dma_start3A_15] : memref<32x92x128xi32, #tpu.memory_space<hbm>> -> memref<1x92x128xi32, #tpu.memory_space<hbm>>
      %dma_start3A_17 = tpu.memref_squeeze %dma_start3A_16 : memref<1x92x128xi32, #tpu.memory_space<hbm>> -> memref<92x128xi32, #tpu.memory_space<hbm>>
      %dma_start3A_18 = arith.constant 0 : i32
      %dma_start3A_19 = arith.constant 0 : i32
      %dma_start3A_20 = tpu.memref_slice %arg3[%add3A, %dma_start3A_18, %dma_start3A_19] : memref<32x92x128xi32, #tpu.memory_space<hbm>> -> memref<1x92x128xi32, #tpu.memory_space<hbm>>
      %dma_start3A_21 = tpu.memref_squeeze %dma_start3A_20 : memref<1x92x128xi32, #tpu.memory_space<hbm>> -> memref<92x128xi32, #tpu.memory_space<hbm>>
      tpu.enqueue_dma source(%dma_start3A_21 : memref<92x128xi32, #tpu.memory_space<hbm>>) target(%arg7 : memref<92x128xi32, #tpu.memory_space<vmem>>) target_semaphore(%run_scoped3A : memref<!tpu.dma_semaphore, #tpu.memory_space<semaphore_mem>>)
      %dma_wait3A = arith.constant 0 : i32
      %dma_wait3A_22 = arith.constant 0 : i32
      %dma_wait3A_23 = tpu.memref_slice %arg3[%add3A, %dma_wait3A, %dma_wait3A_22] : memref<32x92x128xi32, #tpu.memory_space<hbm>> -> memref<1x92x128xi32, #tpu.memory_space<hbm>>
      %dma_wait3A_24 = tpu.memref_squeeze %dma_wait3A_23 : memref<1x92x128xi32, #tpu.memory_space<hbm>> -> memref<92x128xi32, #tpu.memory_space<hbm>>
      %dma_wait3A_25 = arith.constant 0 : i32
      %dma_wait3A_26 = arith.constant 0 : i32
      %dma_wait3A_27 = tpu.memref_slice %arg3[%add3A, %dma_wait3A_25, %dma_wait3A_26] : memref<32x92x128xi32, #tpu.memory_space<hbm>> -> memref<1x92x128xi32, #tpu.memory_space<hbm>>
      %dma_wait3A_28 = tpu.memref_squeeze %dma_wait3A_27 : memref<1x92x128xi32, #tpu.memory_space<hbm>> -> memref<92x128xi32, #tpu.memory_space<hbm>>
      tpu.wait_dma2 semaphore(%run_scoped3A : memref<!tpu.dma_semaphore, #tpu.memory_space<semaphore_mem>>) src(%dma_wait3A_28 : memref<92x128xi32, #tpu.memory_space<hbm>>) dst(%arg7 : memref<92x128xi32, #tpu.memory_space<vmem>>)
      tpu.yield
    }) : () -> ()
    "tpu.region"() ({
      %run_scoped3A = tpu.sem_alloc : memref<!tpu.dma_semaphore, #tpu.memory_space<semaphore_mem>>
      %dma_start3A = arith.constant 0 : i32
      %dma_start3A_15 = arith.constant 0 : i32
      %dma_start3A_16 = tpu.memref_slice %arg4[%add3A, %dma_start3A, %dma_start3A_15] : memref<32x92x128xi32, #tpu.memory_space<hbm>> -> memref<1x92x128xi32, #tpu.memory_space<hbm>>
      %dma_start3A_17 = tpu.memref_squeeze %dma_start3A_16 : memref<1x92x128xi32, #tpu.memory_space<hbm>> -> memref<92x128xi32, #tpu.memory_space<hbm>>
      %dma_start3A_18 = arith.constant 0 : i32
      %dma_start3A_19 = arith.constant 0 : i32
      %dma_start3A_20 = tpu.memref_slice %arg4[%add3A, %dma_start3A_18, %dma_start3A_19] : memref<32x92x128xi32, #tpu.memory_space<hbm>> -> memref<1x92x128xi32, #tpu.memory_space<hbm>>
      %dma_start3A_21 = tpu.memref_squeeze %dma_start3A_20 : memref<1x92x128xi32, #tpu.memory_space<hbm>> -> memref<92x128xi32, #tpu.memory_space<hbm>>
      tpu.enqueue_dma source(%dma_start3A_21 : memref<92x128xi32, #tpu.memory_space<hbm>>) target(%arg8 : memref<92x128xi32, #tpu.memory_space<vmem>>) target_semaphore(%run_scoped3A : memref<!tpu.dma_semaphore, #tpu.memory_space<semaphore_mem>>)
      %dma_wait3A = arith.constant 0 : i32
      %dma_wait3A_22 = arith.constant 0 : i32
      %dma_wait3A_23 = tpu.memref_slice %arg4[%add3A, %dma_wait3A, %dma_wait3A_22] : memref<32x92x128xi32, #tpu.memory_space<hbm>> -> memref<1x92x128xi32, #tpu.memory_space<hbm>>
      %dma_wait3A_24 = tpu.memref_squeeze %dma_wait3A_23 : memref<1x92x128xi32, #tpu.memory_space<hbm>> -> memref<92x128xi32, #tpu.memory_space<hbm>>
      %dma_wait3A_25 = arith.constant 0 : i32
      %dma_wait3A_26 = arith.constant 0 : i32
      %dma_wait3A_27 = tpu.memref_slice %arg4[%add3A, %dma_wait3A_25, %dma_wait3A_26] : memref<32x92x128xi32, #tpu.memory_space<hbm>> -> memref<1x92x128xi32, #tpu.memory_space<hbm>>
      %dma_wait3A_28 = tpu.memref_squeeze %dma_wait3A_27 : memref<1x92x128xi32, #tpu.memory_space<hbm>> -> memref<92x128xi32, #tpu.memory_space<hbm>>
      tpu.wait_dma2 semaphore(%run_scoped3A : memref<!tpu.dma_semaphore, #tpu.memory_space<semaphore_mem>>) src(%dma_wait3A_28 : memref<92x128xi32, #tpu.memory_space<hbm>>) dst(%arg8 : memref<92x128xi32, #tpu.memory_space<vmem>>)
      tpu.yield
    }) : () -> ()
    %barrier3A = arith.constant 0 : index
    tpu.barrier barrier_id(%barrier3A)
    %while3A = arith.constant 0 : i32
    %while3A_5 = arith.constant 0 : i32
    %while3A_6 = arith.subi %select_n3A, %while3A_5 : i32
    %while3A_7 = arith.addi %while3A_5, %while3A_6 : i32
    %while3A_8 = arith.constant 1 : i32
    %while3A_9 = arith.divsi %while3A_6, %while3A_8 : i32
    %while3A_10 = arith.muli %while3A_9, %while3A_8 : i32
    %while3A_11 = arith.addi %while3A_5, %while3A_10 : i32
    %while3A_12 = arith.constant 1 : i32
    scf.for %while3A_15 = %while3A_5 to %while3A_11 step %while3A_12  : i32 {
      %dma_start3A = arith.constant 0 : i32
      %dma_start3A_16 = tpu.memref_slice %arg7[%while3A_15, %dma_start3A] : memref<92x128xi32, #tpu.memory_space<vmem>> -> memref<1x128xi32, #tpu.memory_space<vmem>>
      %dma_start3A_17 = tpu.memref_squeeze %dma_start3A_16 : memref<1x128xi32, #tpu.memory_space<vmem>> -> memref<128xi32, #tpu.memory_space<vmem>>
      %dma_start3A_18 = arith.constant 0 : i32
      %dma_start3A_19 = arith.constant 0 : i32
      %dma_start3A_20 = tpu.memref_slice %arg2[%dma_start3A_18, %dma_start3A_19] : memref<10240x128xf32, #tpu.memory_space<hbm>> -> memref<10240x128xf32, #tpu.memory_space<hbm>>
      tpu.enqueue_indirect_dma source(%dma_start3A_20 : memref<10240x128xf32, #tpu.memory_space<hbm>>) target(%arg9 : memref<128x128xf32, #tpu.memory_space<vmem>>) offsets(%dma_start3A_17 : memref<128xi32, #tpu.memory_space<vmem>>) semaphore(%arg10 : memref<!tpu.dma_semaphore, #tpu.memory_space<semaphore_mem>>)
      %dma_wait3A = arith.constant 0 : i32
      %dma_wait3A_21 = tpu.memref_slice %arg7[%while3A_15, %dma_wait3A] : memref<92x128xi32, #tpu.memory_space<vmem>> -> memref<1x128xi32, #tpu.memory_space<vmem>>
      %dma_wait3A_22 = tpu.memref_squeeze %dma_wait3A_21 : memref<1x128xi32, #tpu.memory_space<vmem>> -> memref<128xi32, #tpu.memory_space<vmem>>
      %dma_wait3A_23 = arith.constant 0 : i32
      %dma_wait3A_24 = arith.constant 0 : i32
      %dma_wait3A_25 = tpu.memref_slice %arg2[%dma_wait3A_23, %dma_wait3A_24] : memref<10240x128xf32, #tpu.memory_space<hbm>> -> memref<10240x128xf32, #tpu.memory_space<hbm>>
      tpu.wait_indirect_dma semaphore(%arg10 : memref<!tpu.dma_semaphore, #tpu.memory_space<semaphore_mem>>) src(%dma_wait3A_25 : memref<10240x128xf32, #tpu.memory_space<hbm>>) dst(%arg9 : memref<128x128xf32, #tpu.memory_space<vmem>>)
      "tpu.region"() ({
        %run_scoped3A = tpu.sem_alloc : memref<!tpu.dma_semaphore, #tpu.memory_space<semaphore_mem>>
        %dma_start3A_26 = arith.constant 0 : i32
        %dma_start3A_27 = tpu.memref_slice %arg8[%while3A_15, %dma_start3A_26] : memref<92x128xi32, #tpu.memory_space<vmem>> -> memref<1x128xi32, #tpu.memory_space<vmem>>
        %dma_start3A_28 = tpu.memref_squeeze %dma_start3A_27 : memref<1x128xi32, #tpu.memory_space<vmem>> -> memref<128xi32, #tpu.memory_space<vmem>>
        %dma_start3A_29 = arith.constant 0 : i32
        %dma_start3A_30 = arith.constant 0 : i32
        %dma_start3A_31 = tpu.memref_slice %arg11[%dma_start3A_29, %dma_start3A_30] : memref<10240x128xf32, #tpu.memory_space<vmem_shared>> -> memref<10240x128xf32, #tpu.memory_space<vmem_shared>>
        tpu.enqueue_indirect_dma source(%arg9 : memref<128x128xf32, #tpu.memory_space<vmem>>) target(%dma_start3A_31 : memref<10240x128xf32, #tpu.memory_space<vmem_shared>>) offsets(%dma_start3A_28 : memref<128xi32, #tpu.memory_space<vmem>>) semaphore(%run_scoped3A : memref<!tpu.dma_semaphore, #tpu.memory_space<semaphore_mem>>) {add = true}
        %dma_wait3A_32 = arith.constant 0 : i32
        %dma_wait3A_33 = tpu.memref_slice %arg8[%while3A_15, %dma_wait3A_32] : memref<92x128xi32, #tpu.memory_space<vmem>> -> memref<1x128xi32, #tpu.memory_space<vmem>>
        %dma_wait3A_34 = tpu.memref_squeeze %dma_wait3A_33 : memref<1x128xi32, #tpu.memory_space<vmem>> -> memref<128xi32, #tpu.memory_space<vmem>>
        %dma_wait3A_35 = arith.constant 0 : i32
        %dma_wait3A_36 = arith.constant 0 : i32
        %dma_wait3A_37 = tpu.memref_slice %arg11[%dma_wait3A_35, %dma_wait3A_36] : memref<10240x128xf32, #tpu.memory_space<vmem_shared>> -> memref<10240x128xf32, #tpu.memory_space<vmem_shared>>
        tpu.wait_indirect_dma semaphore(%run_scoped3A : memref<!tpu.dma_semaphore, #tpu.memory_space<semaphore_mem>>) src(%arg9 : memref<128x128xf32, #tpu.memory_space<vmem>>) dst(%dma_wait3A_37 : memref<10240x128xf32, #tpu.memory_space<vmem_shared>>)
        tpu.yield
      }) : () -> ()
    }
    %while3A_13 = arith.constant 1 : i32
    scf.for %while3A_15 = %while3A_11 to %while3A_7 step %while3A_13  : i32 {
      %dma_start3A = arith.constant 0 : i32
      %dma_start3A_16 = tpu.memref_slice %arg7[%while3A_15, %dma_start3A] : memref<92x128xi32, #tpu.memory_space<vmem>> -> memref<1x128xi32, #tpu.memory_space<vmem>>
      %dma_start3A_17 = tpu.memref_squeeze %dma_start3A_16 : memref<1x128xi32, #tpu.memory_space<vmem>> -> memref<128xi32, #tpu.memory_space<vmem>>
      %dma_start3A_18 = arith.constant 0 : i32
      %dma_start3A_19 = arith.constant 0 : i32
      %dma_start3A_20 = tpu.memref_slice %arg2[%dma_start3A_18, %dma_start3A_19] : memref<10240x128xf32, #tpu.memory_space<hbm>> -> memref<10240x128xf32, #tpu.memory_space<hbm>>
      tpu.enqueue_indirect_dma source(%dma_start3A_20 : memref<10240x128xf32, #tpu.memory_space<hbm>>) target(%arg9 : memref<128x128xf32, #tpu.memory_space<vmem>>) offsets(%dma_start3A_17 : memref<128xi32, #tpu.memory_space<vmem>>) semaphore(%arg10 : memref<!tpu.dma_semaphore, #tpu.memory_space<semaphore_mem>>)
      %dma_wait3A = arith.constant 0 : i32
      %dma_wait3A_21 = tpu.memref_slice %arg7[%while3A_15, %dma_wait3A] : memref<92x128xi32, #tpu.memory_space<vmem>> -> memref<1x128xi32, #tpu.memory_space<vmem>>
      %dma_wait3A_22 = tpu.memref_squeeze %dma_wait3A_21 : memref<1x128xi32, #tpu.memory_space<vmem>> -> memref<128xi32, #tpu.memory_space<vmem>>
      %dma_wait3A_23 = arith.constant 0 : i32
      %dma_wait3A_24 = arith.constant 0 : i32
      %dma_wait3A_25 = tpu.memref_slice %arg2[%dma_wait3A_23, %dma_wait3A_24] : memref<10240x128xf32, #tpu.memory_space<hbm>> -> memref<10240x128xf32, #tpu.memory_space<hbm>>
      tpu.wait_indirect_dma semaphore(%arg10 : memref<!tpu.dma_semaphore, #tpu.memory_space<semaphore_mem>>) src(%dma_wait3A_25 : memref<10240x128xf32, #tpu.memory_space<hbm>>) dst(%arg9 : memref<128x128xf32, #tpu.memory_space<vmem>>)
      "tpu.region"() ({
        %run_scoped3A = tpu.sem_alloc : memref<!tpu.dma_semaphore, #tpu.memory_space<semaphore_mem>>
        %dma_start3A_26 = arith.constant 0 : i32
        %dma_start3A_27 = tpu.memref_slice %arg8[%while3A_15, %dma_start3A_26] : memref<92x128xi32, #tpu.memory_space<vmem>> -> memref<1x128xi32, #tpu.memory_space<vmem>>
        %dma_start3A_28 = tpu.memref_squeeze %dma_start3A_27 : memref<1x128xi32, #tpu.memory_space<vmem>> -> memref<128xi32, #tpu.memory_space<vmem>>
        %dma_start3A_29 = arith.constant 0 : i32
        %dma_start3A_30 = arith.constant 0 : i32
        %dma_start3A_31 = tpu.memref_slice %arg11[%dma_start3A_29, %dma_start3A_30] : memref<10240x128xf32, #tpu.memory_space<vmem_shared>> -> memref<10240x128xf32, #tpu.memory_space<vmem_shared>>
        tpu.enqueue_indirect_dma source(%arg9 : memref<128x128xf32, #tpu.memory_space<vmem>>) target(%dma_start3A_31 : memref<10240x128xf32, #tpu.memory_space<vmem_shared>>) offsets(%dma_start3A_28 : memref<128xi32, #tpu.memory_space<vmem>>) semaphore(%run_scoped3A : memref<!tpu.dma_semaphore, #tpu.memory_space<semaphore_mem>>) {add = true}
        %dma_wait3A_32 = arith.constant 0 : i32
        %dma_wait3A_33 = tpu.memref_slice %arg8[%while3A_15, %dma_wait3A_32] : memref<92x128xi32, #tpu.memory_space<vmem>> -> memref<1x128xi32, #tpu.memory_space<vmem>>
        %dma_wait3A_34 = tpu.memref_squeeze %dma_wait3A_33 : memref<1x128xi32, #tpu.memory_space<vmem>> -> memref<128xi32, #tpu.memory_space<vmem>>
        %dma_wait3A_35 = arith.constant 0 : i32
        %dma_wait3A_36 = arith.constant 0 : i32
        %dma_wait3A_37 = tpu.memref_slice %arg11[%dma_wait3A_35, %dma_wait3A_36] : memref<10240x128xf32, #tpu.memory_space<vmem_shared>> -> memref<10240x128xf32, #tpu.memory_space<vmem_shared>>
        tpu.wait_indirect_dma semaphore(%run_scoped3A : memref<!tpu.dma_semaphore, #tpu.memory_space<semaphore_mem>>) src(%arg9 : memref<128x128xf32, #tpu.memory_space<vmem>>) dst(%dma_wait3A_37 : memref<10240x128xf32, #tpu.memory_space<vmem_shared>>)
        tpu.yield
      }) : () -> ()
    }
    %barrier3A_14 = arith.constant 0 : index
    tpu.barrier barrier_id(%barrier3A_14)
    "tpu.region"() ({
      %run_scoped3A = tpu.sem_alloc : memref<!tpu.dma_semaphore, #tpu.memory_space<semaphore_mem>>
      %dma_start3A = arith.constant 0 : i32
      %dma_start3A_15 = tpu.memref_slice %arg6[%arg0, %mul3A_2, %dma_start3A] : memref<2x10240x128xf32, #tpu.memory_space<hbm>> -> memref<1x640x128xf32, #tpu.memory_space<hbm>>
      %dma_start3A_16 = tpu.memref_squeeze %dma_start3A_15 : memref<1x640x128xf32, #tpu.memory_space<hbm>> -> memref<640x128xf32, #tpu.memory_space<hbm>>
      %dma_start3A_17 = arith.constant 0 : i32
      %dma_start3A_18 = tpu.memref_slice %arg11[%mul3A_2, %dma_start3A_17] : memref<10240x128xf32, #tpu.memory_space<vmem_shared>> -> memref<640x128xf32, #tpu.memory_space<vmem_shared>>
      tpu.enqueue_dma source(%dma_start3A_18 : memref<640x128xf32, #tpu.memory_space<vmem_shared>>) target(%dma_start3A_16 : memref<640x128xf32, #tpu.memory_space<hbm>>) target_semaphore(%run_scoped3A : memref<!tpu.dma_semaphore, #tpu.memory_space<semaphore_mem>>)
      %dma_wait3A = arith.constant 0 : i32
      %dma_wait3A_19 = tpu.memref_slice %arg6[%arg0, %mul3A_2, %dma_wait3A] : memref<2x10240x128xf32, #tpu.memory_space<hbm>> -> memref<1x640x128xf32, #tpu.memory_space<hbm>>
      %dma_wait3A_20 = tpu.memref_squeeze %dma_wait3A_19 : memref<1x640x128xf32, #tpu.memory_space<hbm>> -> memref<640x128xf32, #tpu.memory_space<hbm>>
      %dma_wait3A_21 = arith.constant 0 : i32
      %dma_wait3A_22 = tpu.memref_slice %arg11[%mul3A_2, %dma_wait3A_21] : memref<10240x128xf32, #tpu.memory_space<vmem_shared>> -> memref<640x128xf32, #tpu.memory_space<vmem_shared>>
      tpu.wait_dma2 semaphore(%run_scoped3A : memref<!tpu.dma_semaphore, #tpu.memory_space<semaphore_mem>>) src(%dma_wait3A_22 : memref<640x128xf32, #tpu.memory_space<vmem_shared>>) dst(%dma_wait3A_20 : memref<640x128xf32, #tpu.memory_space<hbm>>)
      tpu.yield
    }) : () -> ()
    return
  }
}

#map = affine_map<(d0, d1) -> (0, 0)>
#map1 = affine_map<(d0, d1) -> (0, 0, 0)>
module attributes {stable_mosaic.version = 14 : i64} {
  func.func @_seg_body(%arg0: i32, %arg1: i32, %arg2: memref<10240x128xf32, #tpu.memory_space<hbm>>, %arg3: memref<32x92x128xi32, #tpu.memory_space<hbm>>, %arg4: memref<32x92x128xi32, #tpu.memory_space<hbm>>, %arg5: memref<10240x128xf32, #tpu.memory_space<hbm>>, %arg6: memref<2x10240x128xf32, #tpu.memory_space<hbm>>, %arg7: memref<92x128xi32, #tpu.memory_space<vmem>>, %arg8: memref<92x128xi32, #tpu.memory_space<vmem>>, %arg9: memref<128x128xf32, #tpu.memory_space<vmem>>, %arg10: memref<!tpu.dma_semaphore, #tpu.memory_space<semaphore_mem>>, %arg11: memref<10240x128xf32, #tpu.memory_space<vmem_shared>>) attributes {dimension_semantics = [#tpu.dimension_semantics<core_parallel>, #tpu.dimension_semantics<subcore_parallel>], iteration_bounds = array<i64: 2, 16>, scalar_prefetch = 0 : i64, scratch_operands = 5 : i64, tpu.core_type = #tpu.core_type<sc_vector_subcore>, window_params = [{transform_indices = #map}, {transform_indices = #map1}, {transform_indices = #map1}, {transform_indices = #map}, {transform_indices = #map1}]} {
    %mul3A = arith.constant 16 : i32
    %mul3A_0 = arith.muli %arg0, %mul3A : i32
    %add3A = arith.addi %mul3A_0, %arg1 : i32
    %mul3A_1 = arith.constant 640 : i32
    %mul3A_2 = arith.muli %arg1, %mul3A_1 : i32
    %eq3A = arith.constant 0 : i32
    %eq3A_3 = arith.cmpi eq, %arg0, %eq3A : i32
    %jit3A = arith.constant 92 : i32
    %jit3A_4 = arith.constant 65 : i32
    %select_n3A = arith.select %eq3A_3, %jit3A, %jit3A_4 : i32
    "tpu.region"() ({
      %run_scoped3A = tpu.sem_alloc : memref<!tpu.dma_semaphore, #tpu.memory_space<semaphore_mem>>
      %dma_start3A = arith.constant 0 : i32
      %dma_start3A_15 = tpu.memref_slice %arg11[%mul3A_2, %dma_start3A] : memref<10240x128xf32, #tpu.memory_space<vmem_shared>> -> memref<640x128xf32, #tpu.memory_space<vmem_shared>>
      %dma_start3A_16 = arith.constant 0 : i32
      %dma_start3A_17 = tpu.memref_slice %arg5[%mul3A_2, %dma_start3A_16] : memref<10240x128xf32, #tpu.memory_space<hbm>> -> memref<640x128xf32, #tpu.memory_space<hbm>>
      tpu.enqueue_dma source(%dma_start3A_17 : memref<640x128xf32, #tpu.memory_space<hbm>>) target(%dma_start3A_15 : memref<640x128xf32, #tpu.memory_space<vmem_shared>>) target_semaphore(%run_scoped3A : memref<!tpu.dma_semaphore, #tpu.memory_space<semaphore_mem>>)
      %dma_wait3A = arith.constant 0 : i32
      %dma_wait3A_18 = tpu.memref_slice %arg11[%mul3A_2, %dma_wait3A] : memref<10240x128xf32, #tpu.memory_space<vmem_shared>> -> memref<640x128xf32, #tpu.memory_space<vmem_shared>>
      %dma_wait3A_19 = arith.constant 0 : i32
      %dma_wait3A_20 = tpu.memref_slice %arg5[%mul3A_2, %dma_wait3A_19] : memref<10240x128xf32, #tpu.memory_space<hbm>> -> memref<640x128xf32, #tpu.memory_space<hbm>>
      tpu.wait_dma2 semaphore(%run_scoped3A : memref<!tpu.dma_semaphore, #tpu.memory_space<semaphore_mem>>) src(%dma_wait3A_20 : memref<640x128xf32, #tpu.memory_space<hbm>>) dst(%dma_wait3A_18 : memref<640x128xf32, #tpu.memory_space<vmem_shared>>)
      tpu.yield
    }) : () -> ()
    "tpu.region"() ({
      %run_scoped3A = tpu.sem_alloc : memref<!tpu.dma_semaphore, #tpu.memory_space<semaphore_mem>>
      %dma_start3A = arith.constant 0 : i32
      %dma_start3A_15 = arith.constant 0 : i32
      %dma_start3A_16 = tpu.memref_slice %arg3[%add3A, %dma_start3A, %dma_start3A_15] : memref<32x92x128xi32, #tpu.memory_space<hbm>> -> memref<1x92x128xi32, #tpu.memory_space<hbm>>
      %dma_start3A_17 = tpu.memref_squeeze %dma_start3A_16 : memref<1x92x128xi32, #tpu.memory_space<hbm>> -> memref<92x128xi32, #tpu.memory_space<hbm>>
      %dma_start3A_18 = arith.constant 0 : i32
      %dma_start3A_19 = arith.constant 0 : i32
      %dma_start3A_20 = tpu.memref_slice %arg3[%add3A, %dma_start3A_18, %dma_start3A_19] : memref<32x92x128xi32, #tpu.memory_space<hbm>> -> memref<1x92x128xi32, #tpu.memory_space<hbm>>
      %dma_start3A_21 = tpu.memref_squeeze %dma_start3A_20 : memref<1x92x128xi32, #tpu.memory_space<hbm>> -> memref<92x128xi32, #tpu.memory_space<hbm>>
      tpu.enqueue_dma source(%dma_start3A_21 : memref<92x128xi32, #tpu.memory_space<hbm>>) target(%arg7 : memref<92x128xi32, #tpu.memory_space<vmem>>) target_semaphore(%run_scoped3A : memref<!tpu.dma_semaphore, #tpu.memory_space<semaphore_mem>>)
      %dma_wait3A = arith.constant 0 : i32
      %dma_wait3A_22 = arith.constant 0 : i32
      %dma_wait3A_23 = tpu.memref_slice %arg3[%add3A, %dma_wait3A, %dma_wait3A_22] : memref<32x92x128xi32, #tpu.memory_space<hbm>> -> memref<1x92x128xi32, #tpu.memory_space<hbm>>
      %dma_wait3A_24 = tpu.memref_squeeze %dma_wait3A_23 : memref<1x92x128xi32, #tpu.memory_space<hbm>> -> memref<92x128xi32, #tpu.memory_space<hbm>>
      %dma_wait3A_25 = arith.constant 0 : i32
      %dma_wait3A_26 = arith.constant 0 : i32
      %dma_wait3A_27 = tpu.memref_slice %arg3[%add3A, %dma_wait3A_25, %dma_wait3A_26] : memref<32x92x128xi32, #tpu.memory_space<hbm>> -> memref<1x92x128xi32, #tpu.memory_space<hbm>>
      %dma_wait3A_28 = tpu.memref_squeeze %dma_wait3A_27 : memref<1x92x128xi32, #tpu.memory_space<hbm>> -> memref<92x128xi32, #tpu.memory_space<hbm>>
      tpu.wait_dma2 semaphore(%run_scoped3A : memref<!tpu.dma_semaphore, #tpu.memory_space<semaphore_mem>>) src(%dma_wait3A_28 : memref<92x128xi32, #tpu.memory_space<hbm>>) dst(%arg7 : memref<92x128xi32, #tpu.memory_space<vmem>>)
      tpu.yield
    }) : () -> ()
    "tpu.region"() ({
      %run_scoped3A = tpu.sem_alloc : memref<!tpu.dma_semaphore, #tpu.memory_space<semaphore_mem>>
      %dma_start3A = arith.constant 0 : i32
      %dma_start3A_15 = arith.constant 0 : i32
      %dma_start3A_16 = tpu.memref_slice %arg4[%add3A, %dma_start3A, %dma_start3A_15] : memref<32x92x128xi32, #tpu.memory_space<hbm>> -> memref<1x92x128xi32, #tpu.memory_space<hbm>>
      %dma_start3A_17 = tpu.memref_squeeze %dma_start3A_16 : memref<1x92x128xi32, #tpu.memory_space<hbm>> -> memref<92x128xi32, #tpu.memory_space<hbm>>
      %dma_start3A_18 = arith.constant 0 : i32
      %dma_start3A_19 = arith.constant 0 : i32
      %dma_start3A_20 = tpu.memref_slice %arg4[%add3A, %dma_start3A_18, %dma_start3A_19] : memref<32x92x128xi32, #tpu.memory_space<hbm>> -> memref<1x92x128xi32, #tpu.memory_space<hbm>>
      %dma_start3A_21 = tpu.memref_squeeze %dma_start3A_20 : memref<1x92x128xi32, #tpu.memory_space<hbm>> -> memref<92x128xi32, #tpu.memory_space<hbm>>
      tpu.enqueue_dma source(%dma_start3A_21 : memref<92x128xi32, #tpu.memory_space<hbm>>) target(%arg8 : memref<92x128xi32, #tpu.memory_space<vmem>>) target_semaphore(%run_scoped3A : memref<!tpu.dma_semaphore, #tpu.memory_space<semaphore_mem>>)
      %dma_wait3A = arith.constant 0 : i32
      %dma_wait3A_22 = arith.constant 0 : i32
      %dma_wait3A_23 = tpu.memref_slice %arg4[%add3A, %dma_wait3A, %dma_wait3A_22] : memref<32x92x128xi32, #tpu.memory_space<hbm>> -> memref<1x92x128xi32, #tpu.memory_space<hbm>>
      %dma_wait3A_24 = tpu.memref_squeeze %dma_wait3A_23 : memref<1x92x128xi32, #tpu.memory_space<hbm>> -> memref<92x128xi32, #tpu.memory_space<hbm>>
      %dma_wait3A_25 = arith.constant 0 : i32
      %dma_wait3A_26 = arith.constant 0 : i32
      %dma_wait3A_27 = tpu.memref_slice %arg4[%add3A, %dma_wait3A_25, %dma_wait3A_26] : memref<32x92x128xi32, #tpu.memory_space<hbm>> -> memref<1x92x128xi32, #tpu.memory_space<hbm>>
      %dma_wait3A_28 = tpu.memref_squeeze %dma_wait3A_27 : memref<1x92x128xi32, #tpu.memory_space<hbm>> -> memref<92x128xi32, #tpu.memory_space<hbm>>
      tpu.wait_dma2 semaphore(%run_scoped3A : memref<!tpu.dma_semaphore, #tpu.memory_space<semaphore_mem>>) src(%dma_wait3A_28 : memref<92x128xi32, #tpu.memory_space<hbm>>) dst(%arg8 : memref<92x128xi32, #tpu.memory_space<vmem>>)
      tpu.yield
    }) : () -> ()
    %barrier3A = arith.constant 0 : index
    tpu.barrier barrier_id(%barrier3A)
    %while3A = arith.constant 0 : i32
    %while3A_5 = arith.constant 0 : i32
    %while3A_6 = arith.subi %select_n3A, %while3A_5 : i32
    %while3A_7 = arith.addi %while3A_5, %while3A_6 : i32
    %while3A_8 = arith.constant 1 : i32
    %while3A_9 = arith.divsi %while3A_6, %while3A_8 : i32
    %while3A_10 = arith.muli %while3A_9, %while3A_8 : i32
    %while3A_11 = arith.addi %while3A_5, %while3A_10 : i32
    %while3A_12 = arith.constant 1 : i32
    scf.for %while3A_15 = %while3A_5 to %while3A_11 step %while3A_12  : i32 {
      %dma_start3A = arith.constant 0 : i32
      %dma_start3A_16 = tpu.memref_slice %arg7[%while3A_15, %dma_start3A] : memref<92x128xi32, #tpu.memory_space<vmem>> -> memref<1x128xi32, #tpu.memory_space<vmem>>
      %dma_start3A_17 = tpu.memref_squeeze %dma_start3A_16 : memref<1x128xi32, #tpu.memory_space<vmem>> -> memref<128xi32, #tpu.memory_space<vmem>>
      %dma_start3A_18 = arith.constant 0 : i32
      %dma_start3A_19 = arith.constant 0 : i32
      %dma_start3A_20 = tpu.memref_slice %arg2[%dma_start3A_18, %dma_start3A_19] : memref<10240x128xf32, #tpu.memory_space<hbm>> -> memref<10240x128xf32, #tpu.memory_space<hbm>>
      tpu.enqueue_indirect_dma source(%dma_start3A_20 : memref<10240x128xf32, #tpu.memory_space<hbm>>) target(%arg9 : memref<128x128xf32, #tpu.memory_space<vmem>>) offsets(%dma_start3A_17 : memref<128xi32, #tpu.memory_space<vmem>>) semaphore(%arg10 : memref<!tpu.dma_semaphore, #tpu.memory_space<semaphore_mem>>)
      %dma_wait3A = arith.constant 0 : i32
      %dma_wait3A_21 = tpu.memref_slice %arg7[%while3A_15, %dma_wait3A] : memref<92x128xi32, #tpu.memory_space<vmem>> -> memref<1x128xi32, #tpu.memory_space<vmem>>
      %dma_wait3A_22 = tpu.memref_squeeze %dma_wait3A_21 : memref<1x128xi32, #tpu.memory_space<vmem>> -> memref<128xi32, #tpu.memory_space<vmem>>
      %dma_wait3A_23 = arith.constant 0 : i32
      %dma_wait3A_24 = arith.constant 0 : i32
      %dma_wait3A_25 = tpu.memref_slice %arg2[%dma_wait3A_23, %dma_wait3A_24] : memref<10240x128xf32, #tpu.memory_space<hbm>> -> memref<10240x128xf32, #tpu.memory_space<hbm>>
      tpu.wait_indirect_dma semaphore(%arg10 : memref<!tpu.dma_semaphore, #tpu.memory_space<semaphore_mem>>) src(%dma_wait3A_25 : memref<10240x128xf32, #tpu.memory_space<hbm>>) dst(%arg9 : memref<128x128xf32, #tpu.memory_space<vmem>>)
      "tpu.region"() ({
        %run_scoped3A = tpu.sem_alloc : memref<!tpu.dma_semaphore, #tpu.memory_space<semaphore_mem>>
        %dma_start3A_26 = arith.constant 0 : i32
        %dma_start3A_27 = tpu.memref_slice %arg8[%while3A_15, %dma_start3A_26] : memref<92x128xi32, #tpu.memory_space<vmem>> -> memref<1x128xi32, #tpu.memory_space<vmem>>
        %dma_start3A_28 = tpu.memref_squeeze %dma_start3A_27 : memref<1x128xi32, #tpu.memory_space<vmem>> -> memref<128xi32, #tpu.memory_space<vmem>>
        %dma_start3A_29 = arith.constant 0 : i32
        %dma_start3A_30 = arith.constant 0 : i32
        %dma_start3A_31 = tpu.memref_slice %arg11[%dma_start3A_29, %dma_start3A_30] : memref<10240x128xf32, #tpu.memory_space<vmem_shared>> -> memref<10240x128xf32, #tpu.memory_space<vmem_shared>>
        tpu.enqueue_indirect_dma source(%arg9 : memref<128x128xf32, #tpu.memory_space<vmem>>) target(%dma_start3A_31 : memref<10240x128xf32, #tpu.memory_space<vmem_shared>>) offsets(%dma_start3A_28 : memref<128xi32, #tpu.memory_space<vmem>>) semaphore(%run_scoped3A : memref<!tpu.dma_semaphore, #tpu.memory_space<semaphore_mem>>) {add = true}
        %dma_wait3A_32 = arith.constant 0 : i32
        %dma_wait3A_33 = tpu.memref_slice %arg8[%while3A_15, %dma_wait3A_32] : memref<92x128xi32, #tpu.memory_space<vmem>> -> memref<1x128xi32, #tpu.memory_space<vmem>>
        %dma_wait3A_34 = tpu.memref_squeeze %dma_wait3A_33 : memref<1x128xi32, #tpu.memory_space<vmem>> -> memref<128xi32, #tpu.memory_space<vmem>>
        %dma_wait3A_35 = arith.constant 0 : i32
        %dma_wait3A_36 = arith.constant 0 : i32
        %dma_wait3A_37 = tpu.memref_slice %arg11[%dma_wait3A_35, %dma_wait3A_36] : memref<10240x128xf32, #tpu.memory_space<vmem_shared>> -> memref<10240x128xf32, #tpu.memory_space<vmem_shared>>
        tpu.wait_indirect_dma semaphore(%run_scoped3A : memref<!tpu.dma_semaphore, #tpu.memory_space<semaphore_mem>>) src(%arg9 : memref<128x128xf32, #tpu.memory_space<vmem>>) dst(%dma_wait3A_37 : memref<10240x128xf32, #tpu.memory_space<vmem_shared>>)
        tpu.yield
      }) : () -> ()
    }
    %while3A_13 = arith.constant 1 : i32
    scf.for %while3A_15 = %while3A_11 to %while3A_7 step %while3A_13  : i32 {
      %dma_start3A = arith.constant 0 : i32
      %dma_start3A_16 = tpu.memref_slice %arg7[%while3A_15, %dma_start3A] : memref<92x128xi32, #tpu.memory_space<vmem>> -> memref<1x128xi32, #tpu.memory_space<vmem>>
      %dma_start3A_17 = tpu.memref_squeeze %dma_start3A_16 : memref<1x128xi32, #tpu.memory_space<vmem>> -> memref<128xi32, #tpu.memory_space<vmem>>
      %dma_start3A_18 = arith.constant 0 : i32
      %dma_start3A_19 = arith.constant 0 : i32
      %dma_start3A_20 = tpu.memref_slice %arg2[%dma_start3A_18, %dma_start3A_19] : memref<10240x128xf32, #tpu.memory_space<hbm>> -> memref<10240x128xf32, #tpu.memory_space<hbm>>
      tpu.enqueue_indirect_dma source(%dma_start3A_20 : memref<10240x128xf32, #tpu.memory_space<hbm>>) target(%arg9 : memref<128x128xf32, #tpu.memory_space<vmem>>) offsets(%dma_start3A_17 : memref<128xi32, #tpu.memory_space<vmem>>) semaphore(%arg10 : memref<!tpu.dma_semaphore, #tpu.memory_space<semaphore_mem>>)
      %dma_wait3A = arith.constant 0 : i32
      %dma_wait3A_21 = tpu.memref_slice %arg7[%while3A_15, %dma_wait3A] : memref<92x128xi32, #tpu.memory_space<vmem>> -> memref<1x128xi32, #tpu.memory_space<vmem>>
      %dma_wait3A_22 = tpu.memref_squeeze %dma_wait3A_21 : memref<1x128xi32, #tpu.memory_space<vmem>> -> memref<128xi32, #tpu.memory_space<vmem>>
      %dma_wait3A_23 = arith.constant 0 : i32
      %dma_wait3A_24 = arith.constant 0 : i32
      %dma_wait3A_25 = tpu.memref_slice %arg2[%dma_wait3A_23, %dma_wait3A_24] : memref<10240x128xf32, #tpu.memory_space<hbm>> -> memref<10240x128xf32, #tpu.memory_space<hbm>>
      tpu.wait_indirect_dma semaphore(%arg10 : memref<!tpu.dma_semaphore, #tpu.memory_space<semaphore_mem>>) src(%dma_wait3A_25 : memref<10240x128xf32, #tpu.memory_space<hbm>>) dst(%arg9 : memref<128x128xf32, #tpu.memory_space<vmem>>)
      "tpu.region"() ({
        %run_scoped3A = tpu.sem_alloc : memref<!tpu.dma_semaphore, #tpu.memory_space<semaphore_mem>>
        %dma_start3A_26 = arith.constant 0 : i32
        %dma_start3A_27 = tpu.memref_slice %arg8[%while3A_15, %dma_start3A_26] : memref<92x128xi32, #tpu.memory_space<vmem>> -> memref<1x128xi32, #tpu.memory_space<vmem>>
        %dma_start3A_28 = tpu.memref_squeeze %dma_start3A_27 : memref<1x128xi32, #tpu.memory_space<vmem>> -> memref<128xi32, #tpu.memory_space<vmem>>
        %dma_start3A_29 = arith.constant 0 : i32
        %dma_start3A_30 = arith.constant 0 : i32
        %dma_start3A_31 = tpu.memref_slice %arg11[%dma_start3A_29, %dma_start3A_30] : memref<10240x128xf32, #tpu.memory_space<vmem_shared>> -> memref<10240x128xf32, #tpu.memory_space<vmem_shared>>
        tpu.enqueue_indirect_dma source(%arg9 : memref<128x128xf32, #tpu.memory_space<vmem>>) target(%dma_start3A_31 : memref<10240x128xf32, #tpu.memory_space<vmem_shared>>) offsets(%dma_start3A_28 : memref<128xi32, #tpu.memory_space<vmem>>) semaphore(%run_scoped3A : memref<!tpu.dma_semaphore, #tpu.memory_space<semaphore_mem>>) {add = true}
        %dma_wait3A_32 = arith.constant 0 : i32
        %dma_wait3A_33 = tpu.memref_slice %arg8[%while3A_15, %dma_wait3A_32] : memref<92x128xi32, #tpu.memory_space<vmem>> -> memref<1x128xi32, #tpu.memory_space<vmem>>
        %dma_wait3A_34 = tpu.memref_squeeze %dma_wait3A_33 : memref<1x128xi32, #tpu.memory_space<vmem>> -> memref<128xi32, #tpu.memory_space<vmem>>
        %dma_wait3A_35 = arith.constant 0 : i32
        %dma_wait3A_36 = arith.constant 0 : i32
        %dma_wait3A_37 = tpu.memref_slice %arg11[%dma_wait3A_35, %dma_wait3A_36] : memref<10240x128xf32, #tpu.memory_space<vmem_shared>> -> memref<10240x128xf32, #tpu.memory_space<vmem_shared>>
        tpu.wait_indirect_dma semaphore(%run_scoped3A : memref<!tpu.dma_semaphore, #tpu.memory_space<semaphore_mem>>) src(%arg9 : memref<128x128xf32, #tpu.memory_space<vmem>>) dst(%dma_wait3A_37 : memref<10240x128xf32, #tpu.memory_space<vmem_shared>>)
        tpu.yield
      }) : () -> ()
    }
    %barrier3A_14 = arith.constant 0 : index
    tpu.barrier barrier_id(%barrier3A_14)
    "tpu.region"() ({
      %run_scoped3A = tpu.sem_alloc : memref<!tpu.dma_semaphore, #tpu.memory_space<semaphore_mem>>
      %dma_start3A = arith.constant 0 : i32
      %dma_start3A_15 = tpu.memref_slice %arg6[%arg0, %mul3A_2, %dma_start3A] : memref<2x10240x128xf32, #tpu.memory_space<hbm>> -> memref<1x640x128xf32, #tpu.memory_space<hbm>>
      %dma_start3A_16 = tpu.memref_squeeze %dma_start3A_15 : memref<1x640x128xf32, #tpu.memory_space<hbm>> -> memref<640x128xf32, #tpu.memory_space<hbm>>
      %dma_start3A_17 = arith.constant 0 : i32
      %dma_start3A_18 = tpu.memref_slice %arg11[%mul3A_2, %dma_start3A_17] : memref<10240x128xf32, #tpu.memory_space<vmem_shared>> -> memref<640x128xf32, #tpu.memory_space<vmem_shared>>
      tpu.enqueue_dma source(%dma_start3A_18 : memref<640x128xf32, #tpu.memory_space<vmem_shared>>) target(%dma_start3A_16 : memref<640x128xf32, #tpu.memory_space<hbm>>) target_semaphore(%run_scoped3A : memref<!tpu.dma_semaphore, #tpu.memory_space<semaphore_mem>>)
      %dma_wait3A = arith.constant 0 : i32
      %dma_wait3A_19 = tpu.memref_slice %arg6[%arg0, %mul3A_2, %dma_wait3A] : memref<2x10240x128xf32, #tpu.memory_space<hbm>> -> memref<1x640x128xf32, #tpu.memory_space<hbm>>
      %dma_wait3A_20 = tpu.memref_squeeze %dma_wait3A_19 : memref<1x640x128xf32, #tpu.memory_space<hbm>> -> memref<640x128xf32, #tpu.memory_space<hbm>>
      %dma_wait3A_21 = arith.constant 0 : i32
      %dma_wait3A_22 = tpu.memref_slice %arg11[%mul3A_2, %dma_wait3A_21] : memref<10240x128xf32, #tpu.memory_space<vmem_shared>> -> memref<640x128xf32, #tpu.memory_space<vmem_shared>>
      tpu.wait_dma2 semaphore(%run_scoped3A : memref<!tpu.dma_semaphore, #tpu.memory_space<semaphore_mem>>) src(%dma_wait3A_22 : memref<640x128xf32, #tpu.memory_space<vmem_shared>>) dst(%dma_wait3A_20 : memref<640x128xf32, #tpu.memory_space<hbm>>)
      tpu.yield
    }) : () -> ()
    return
  }
}

module attributes {stable_mosaic.version = 14 : i64} {
  func.func @_tc1_body(%arg0: i32, %arg1: memref<1024x128xf32, #tpu.memory_space<vmem>>, %arg2: memref<128x128xf32, #tpu.memory_space<vmem>>, %arg3: memref<1024xf32, #tpu.memory_space<vmem>>, %arg4: memref<1024xf32, #tpu.memory_space<vmem>>, %arg5: memref<1024x128xf32, #tpu.memory_space<vmem>>, %arg6: memref<1024xf32, #tpu.memory_space<vmem>>) attributes {dimension_semantics = [#tpu.dimension_semantics<arbitrary>], iteration_bounds = array<i64: 10>, scalar_prefetch = 0 : i64, scratch_operands = 0 : i64, tpu.core_type = #tpu.core_type<tc>, window_params = [{transform_indices = @transform_0, window_bounds = array<i64: 1024, 128>}, {pipeline_mode = #tpu.pipeline_mode<synchronous>, transform_indices = @transform_1, window_bounds = array<i64: 128, 128>}, {transform_indices = @transform_2, window_bounds = array<i64: 1024>}, {transform_indices = @transform_3, window_bounds = array<i64: 1024>}, {transform_indices = @transform_4, window_bounds = array<i64: 1024, 128>}, {transform_indices = @transform_5, window_bounds = array<i64: 1024>}]} {
    %get3A = arith.constant 0 : index
    %get3A_0 = vector.load %arg3[%get3A] : memref<1024xf32, #tpu.memory_space<vmem>>, vector<1024xf32>
    %get3A_1 = arith.constant 0 : index
    %get3A_2 = vector.load %arg4[%get3A_1] : memref<1024xf32, #tpu.memory_space<vmem>>, vector<1024xf32>
    %add3A = arith.addf %get3A_0, %get3A_2 : vector<1024xf32>
    %add3A_3 = arith.constant 1.000000e+00 : f32
    %add3A_4 = vector.broadcast %add3A_3 : f32 to vector<1024xf32>
    %add3A_5 = arith.addf %add3A, %add3A_4 : vector<1024xf32>
    %rsqrt3A = math.rsqrt %add3A_5 : vector<1024xf32>
    %mul3A = arith.constant 1024 : i32
    %mul3A_6 = arith.muli %arg0, %mul3A : i32
    %iota3A = tpu.iota {dimensions = array<i32: 1>} : vector<1x1024xi32>
    %iota3A_7 = vector.shape_cast %iota3A : vector<1x1024xi32> to vector<1024xi32>
    %add3A_8 = vector.broadcast %mul3A_6 : i32 to vector<1024xi32>
    %add3A_9 = arith.addi %add3A_8, %iota3A_7 : vector<1024xi32>
    %lt3A = arith.constant 10000 : i32
    %lt3A_10 = vector.broadcast %lt3A : i32 to vector<1024xi32>
    %lt3A_11 = arith.cmpi slt, %add3A_9, %lt3A_10 : vector<1024xi32>
    %convert_element_type3A = arith.extui %lt3A_11 : vector<1024xi1> to vector<1024xi32>
    %convert_element_type3A_12 = arith.sitofp %convert_element_type3A : vector<1024xi32> to vector<1024xf32>
    %get3A_13 = arith.constant 0 : index
    %get3A_14 = arith.constant 0 : index
    %get3A_15 = vector.load %arg1[%get3A_13, %get3A_14] : memref<1024x128xf32, #tpu.memory_space<vmem>>, vector<1024x128xf32>
    %get3A_16 = arith.constant 0 : index
    %get3A_17 = arith.constant 0 : index
    %get3A_18 = vector.load %arg2[%get3A_16, %get3A_17] : memref<128x128xf32, #tpu.memory_space<vmem>>, vector<128x128xf32>
    %dot_general3A = arith.constant dense<0.000000e+00> : vector<1024x128xf32>
    %dot_general3A_19 = tpu.matmul %get3A_15, %get3A_18, %dot_general3A {dimension_numbers = #tpu.dot_dimension_numbers<[1], [0], [0], [1], [0, 0, 1, 1], [], []>, transpose_lhs_hint = false} : vector<1024x128xf32>, vector<128x128xf32>, vector<1024x128xf32> -> vector<1024x128xf32>
    %mul3A_20 = arith.mulf %rsqrt3A, %convert_element_type3A_12 : vector<1024xf32>
    %broadcast_in_dim3A = vector.shape_cast %mul3A_20 : vector<1024xf32> to vector<1024x1xf32>
    %mul3A_21 = vector.broadcast %broadcast_in_dim3A : vector<1024x1xf32> to vector<1024x128xf32>
    %mul3A_22 = arith.mulf %dot_general3A_19, %mul3A_21 : vector<1024x128xf32>
    %swap3A = arith.constant 0 : index
    %swap3A_23 = arith.constant 0 : index
    %swap3A_24 = vector.load %arg5[%swap3A, %swap3A_23] : memref<1024x128xf32, #tpu.memory_space<vmem>>, vector<1024x128xf32>
    tpu.vector_store %arg5[%swap3A, %swap3A_23], %mul3A_22 {strides = array<i32>} : memref<1024x128xf32, #tpu.memory_space<vmem>>, vector<1024x128xf32>,
    %swap3A_25 = arith.constant 0 : index
    %swap3A_26 = vector.load %arg6[%swap3A_25] : memref<1024xf32, #tpu.memory_space<vmem>>, vector<1024xf32>
    tpu.vector_store %arg6[%swap3A_25], %rsqrt3A {strides = array<i32>} : memref<1024xf32, #tpu.memory_space<vmem>>, vector<1024xf32>,
    return
  }
  func.func @transform_0(%arg0: i32) -> (i32, i32) {
    %c0_i32 = arith.constant 0 : i32
    %c0_i32_0 = arith.constant 0 : i32
    return %arg0, %c0_i32 : i32, i32
  }
  func.func @transform_1(%arg0: i32) -> (i32, i32) {
    %c0_i32 = arith.constant 0 : i32
    %c0_i32_0 = arith.constant 0 : i32
    %c0_i32_1 = arith.constant 0 : i32
    return %c0_i32, %c0_i32_0 : i32, i32
  }
  func.func @transform_2(%arg0: i32) -> i32 {
    %c0_i32 = arith.constant 0 : i32
    return %arg0 : i32
  }
  func.func @transform_3(%arg0: i32) -> i32 {
    %c0_i32 = arith.constant 0 : i32
    return %arg0 : i32
  }
  func.func @transform_4(%arg0: i32) -> (i32, i32) {
    %c0_i32 = arith.constant 0 : i32
    %c0_i32_0 = arith.constant 0 : i32
    return %arg0, %c0_i32 : i32, i32
  }
  func.func @transform_5(%arg0: i32) -> i32 {
    %c0_i32 = arith.constant 0 : i32
    return %arg0 : i32
  }
}

module attributes {stable_mosaic.version = 14 : i64} {
  func.func @_tc_layer_body(%arg0: i32, %arg1: memref<2x1024x128xf32, #tpu.memory_space<vmem>>, %arg2: memref<1024x128xf32, #tpu.memory_space<vmem>>, %arg3: memref<1024xf32, #tpu.memory_space<vmem>>, %arg4: memref<128xf32, #tpu.memory_space<vmem>>, %arg5: memref<128x128xf32, #tpu.memory_space<vmem>>, %arg6: memref<1024x128xf32, #tpu.memory_space<vmem>>) attributes {dimension_semantics = [#tpu.dimension_semantics<arbitrary>], iteration_bounds = array<i64: 10>, scalar_prefetch = 0 : i64, scratch_operands = 0 : i64, tpu.core_type = #tpu.core_type<tc>, window_params = [{transform_indices = @transform_0, window_bounds = array<i64: 2, 1024, 128>}, {transform_indices = @transform_1, window_bounds = array<i64: 1024, 128>}, {transform_indices = @transform_2, window_bounds = array<i64: 1024>}, {pipeline_mode = #tpu.pipeline_mode<synchronous>, transform_indices = @transform_3, window_bounds = array<i64: 128>}, {pipeline_mode = #tpu.pipeline_mode<synchronous>, transform_indices = @transform_4, window_bounds = array<i64: 128, 128>}, {transform_indices = @transform_5, window_bounds = array<i64: 1024, 128>}]} {
    %get3A = arith.constant 0 : index
    %get3A_0 = vector.load %arg3[%get3A] : memref<1024xf32, #tpu.memory_space<vmem>>, vector<1024xf32>
    %broadcast_in_dim3A = vector.shape_cast %get3A_0 : vector<1024xf32> to vector<1024x1xf32>
    %get3A_1 = arith.constant 0 : index
    %get3A_2 = arith.constant 0 : index
    %get3A_3 = arith.constant 0 : index
    %get3A_4 = vector.load %arg1[%get3A_1, %get3A_2, %get3A_3] : memref<2x1024x128xf32, #tpu.memory_space<vmem>>, vector<1x1024x128xf32>
    %get3A_5 = vector.shape_cast %get3A_4 : vector<1x1024x128xf32> to vector<1024x128xf32>
    %get3A_6 = arith.constant 1 : index
    %get3A_7 = arith.constant 0 : index
    %get3A_8 = arith.constant 0 : index
    %get3A_9 = vector.load %arg1[%get3A_6, %get3A_7, %get3A_8] : memref<2x1024x128xf32, #tpu.memory_space<vmem>>, vector<1x1024x128xf32>
    %get3A_10 = vector.shape_cast %get3A_9 : vector<1x1024x128xf32> to vector<1024x128xf32>
    %add3A = arith.addf %get3A_5, %get3A_10 : vector<1024x128xf32>
    %get3A_11 = arith.constant 0 : index
    %get3A_12 = arith.constant 0 : index
    %get3A_13 = vector.load %arg2[%get3A_11, %get3A_12] : memref<1024x128xf32, #tpu.memory_space<vmem>>, vector<1024x128xf32>
    %add3A_14 = arith.addf %add3A, %get3A_13 : vector<1024x128xf32>
    %mul3A = vector.broadcast %broadcast_in_dim3A : vector<1024x1xf32> to vector<1024x128xf32>
    %mul3A_15 = arith.mulf %mul3A, %add3A_14 : vector<1024x128xf32>
    %get3A_16 = arith.constant 0 : index
    %get3A_17 = vector.load %arg4[%get3A_16] : memref<128xf32, #tpu.memory_space<vmem>>, vector<128xf32>
    %broadcast_in_dim3A_18 = vector.shape_cast %get3A_17 : vector<128xf32> to vector<1x128xf32>
    %add3A_19 = vector.broadcast %broadcast_in_dim3A_18 : vector<1x128xf32> to vector<1024x128xf32>
    %add3A_20 = arith.addf %mul3A_15, %add3A_19 : vector<1024x128xf32>
    %max3A = arith.constant 0.000000e+00 : f32
    %max3A_21 = vector.broadcast %max3A : f32 to vector<1024x128xf32>
    %max3A_22 = arith.maximumf %add3A_20, %max3A_21 : vector<1024x128xf32>
    %mul3A_23 = arith.constant 1024 : i32
    %mul3A_24 = arith.muli %arg0, %mul3A_23 : i32
    %iota3A = tpu.iota {dimensions = array<i32: 1>} : vector<1x1024xi32>
    %iota3A_25 = vector.shape_cast %iota3A : vector<1x1024xi32> to vector<1024xi32>
    %add3A_26 = vector.broadcast %mul3A_24 : i32 to vector<1024xi32>
    %add3A_27 = arith.addi %add3A_26, %iota3A_25 : vector<1024xi32>
    %lt3A = arith.constant 10000 : i32
    %lt3A_28 = vector.broadcast %lt3A : i32 to vector<1024xi32>
    %lt3A_29 = arith.cmpi slt, %add3A_27, %lt3A_28 : vector<1024xi32>
    %convert_element_type3A = arith.extui %lt3A_29 : vector<1024xi1> to vector<1024xi32>
    %convert_element_type3A_30 = arith.sitofp %convert_element_type3A : vector<1024xi32> to vector<1024xf32>
    %get3A_31 = arith.constant 0 : index
    %get3A_32 = arith.constant 0 : index
    %get3A_33 = vector.load %arg5[%get3A_31, %get3A_32] : memref<128x128xf32, #tpu.memory_space<vmem>>, vector<128x128xf32>
    %dot_general3A = arith.constant dense<0.000000e+00> : vector<1024x128xf32>
    %dot_general3A_34 = tpu.matmul %max3A_22, %get3A_33, %dot_general3A {dimension_numbers = #tpu.dot_dimension_numbers<[1], [0], [0], [1], [0, 0, 1, 1], [], []>, transpose_lhs_hint = false} : vector<1024x128xf32>, vector<128x128xf32>, vector<1024x128xf32> -> vector<1024x128xf32>
    %mul3A_35 = arith.mulf %get3A_0, %convert_element_type3A_30 : vector<1024xf32>
    %broadcast_in_dim3A_36 = vector.shape_cast %mul3A_35 : vector<1024xf32> to vector<1024x1xf32>
    %mul3A_37 = vector.broadcast %broadcast_in_dim3A_36 : vector<1024x1xf32> to vector<1024x128xf32>
    %mul3A_38 = arith.mulf %dot_general3A_34, %mul3A_37 : vector<1024x128xf32>
    %swap3A = arith.constant 0 : index
    %swap3A_39 = arith.constant 0 : index
    %swap3A_40 = vector.load %arg6[%swap3A, %swap3A_39] : memref<1024x128xf32, #tpu.memory_space<vmem>>, vector<1024x128xf32>
    tpu.vector_store %arg6[%swap3A, %swap3A_39], %mul3A_38 {strides = array<i32>} : memref<1024x128xf32, #tpu.memory_space<vmem>>, vector<1024x128xf32>,
    return
  }
  func.func @transform_0(%arg0: i32) -> (i32, i32, i32) {
    %c0_i32 = arith.constant 0 : i32
    %c0_i32_0 = arith.constant 0 : i32
    %c0_i32_1 = arith.constant 0 : i32
    return %c0_i32, %arg0, %c0_i32_0 : i32, i32, i32
  }
  func.func @transform_1(%arg0: i32) -> (i32, i32) {
    %c0_i32 = arith.constant 0 : i32
    %c0_i32_0 = arith.constant 0 : i32
    return %arg0, %c0_i32 : i32, i32
  }
  func.func @transform_2(%arg0: i32) -> i32 {
    %c0_i32 = arith.constant 0 : i32
    return %arg0 : i32
  }
  func.func @transform_3(%arg0: i32) -> i32 {
    %c0_i32 = arith.constant 0 : i32
    %c0_i32_0 = arith.constant 0 : i32
    return %c0_i32 : i32
  }
  func.func @transform_4(%arg0: i32) -> (i32, i32) {
    %c0_i32 = arith.constant 0 : i32
    %c0_i32_0 = arith.constant 0 : i32
    %c0_i32_1 = arith.constant 0 : i32
    return %c0_i32, %c0_i32_0 : i32, i32
  }
  func.func @transform_5(%arg0: i32) -> (i32, i32) {
    %c0_i32 = arith.constant 0 : i32
    %c0_i32_0 = arith.constant 0 : i32
    return %arg0, %c0_i32 : i32, i32
  }
}

module attributes {stable_mosaic.version = 14 : i64} {
  func.func @_tc_final_body(%arg0: i32, %arg1: memref<2x1024x128xf32, #tpu.memory_space<vmem>>, %arg2: memref<1024x128xf32, #tpu.memory_space<vmem>>, %arg3: memref<1024xf32, #tpu.memory_space<vmem>>, %arg4: memref<128xf32, #tpu.memory_space<vmem>>, %arg5: memref<1024x128xf32, #tpu.memory_space<vmem>>) attributes {dimension_semantics = [#tpu.dimension_semantics<arbitrary>], iteration_bounds = array<i64: 10>, scalar_prefetch = 0 : i64, scratch_operands = 0 : i64, tpu.core_type = #tpu.core_type<tc>, window_params = [{transform_indices = @transform_0, window_bounds = array<i64: 2, 1024, 128>}, {transform_indices = @transform_1, window_bounds = array<i64: 1024, 128>}, {transform_indices = @transform_2, window_bounds = array<i64: 1024>}, {pipeline_mode = #tpu.pipeline_mode<synchronous>, transform_indices = @transform_3, window_bounds = array<i64: 128>}, {transform_indices = @transform_4, window_bounds = array<i64: 1024, 128>}]} {
    %get3A = arith.constant 0 : index
    %get3A_0 = vector.load %arg3[%get3A] : memref<1024xf32, #tpu.memory_space<vmem>>, vector<1024xf32>
    %broadcast_in_dim3A = vector.shape_cast %get3A_0 : vector<1024xf32> to vector<1024x1xf32>
    %get3A_1 = arith.constant 0 : index
    %get3A_2 = arith.constant 0 : index
    %get3A_3 = arith.constant 0 : index
    %get3A_4 = vector.load %arg1[%get3A_1, %get3A_2, %get3A_3] : memref<2x1024x128xf32, #tpu.memory_space<vmem>>, vector<1x1024x128xf32>
    %get3A_5 = vector.shape_cast %get3A_4 : vector<1x1024x128xf32> to vector<1024x128xf32>
    %get3A_6 = arith.constant 1 : index
    %get3A_7 = arith.constant 0 : index
    %get3A_8 = arith.constant 0 : index
    %get3A_9 = vector.load %arg1[%get3A_6, %get3A_7, %get3A_8] : memref<2x1024x128xf32, #tpu.memory_space<vmem>>, vector<1x1024x128xf32>
    %get3A_10 = vector.shape_cast %get3A_9 : vector<1x1024x128xf32> to vector<1024x128xf32>
    %add3A = arith.addf %get3A_5, %get3A_10 : vector<1024x128xf32>
    %get3A_11 = arith.constant 0 : index
    %get3A_12 = arith.constant 0 : index
    %get3A_13 = vector.load %arg2[%get3A_11, %get3A_12] : memref<1024x128xf32, #tpu.memory_space<vmem>>, vector<1024x128xf32>
    %add3A_14 = arith.addf %add3A, %get3A_13 : vector<1024x128xf32>
    %mul3A = vector.broadcast %broadcast_in_dim3A : vector<1024x1xf32> to vector<1024x128xf32>
    %mul3A_15 = arith.mulf %mul3A, %add3A_14 : vector<1024x128xf32>
    %get3A_16 = arith.constant 0 : index
    %get3A_17 = vector.load %arg4[%get3A_16] : memref<128xf32, #tpu.memory_space<vmem>>, vector<128xf32>
    %broadcast_in_dim3A_18 = vector.shape_cast %get3A_17 : vector<128xf32> to vector<1x128xf32>
    %add3A_19 = vector.broadcast %broadcast_in_dim3A_18 : vector<1x128xf32> to vector<1024x128xf32>
    %add3A_20 = arith.addf %mul3A_15, %add3A_19 : vector<1024x128xf32>
    %iota3A = tpu.iota {dimensions = array<i32: 1>} : vector<1024x128xi32>
    %lt3A = arith.constant 40 : i32
    %lt3A_21 = vector.broadcast %lt3A : i32 to vector<1024x128xi32>
    %lt3A_22 = arith.cmpi slt, %iota3A, %lt3A_21 : vector<1024x128xi32>
    %jit3A = arith.constant -1.000000e+30 : f32
    %broadcast_in_dim3A_23 = vector.broadcast %jit3A : f32 to vector<1024x128xf32>
    %select_n3A = arith.select %lt3A_22, %add3A_20, %broadcast_in_dim3A_23 : vector<1024x128xi1>, vector<1024x128xf32>
    %reduce_max3A = arith.constant dense<0xFF800000> : vector<1024xf32>
    %reduce_max3A_24 = vector.multi_reduction <maximumf>, %select_n3A, %reduce_max3A [1] : vector<1024x128xf32> to vector<1024xf32>
    %broadcast_in_dim3A_25 = vector.shape_cast %reduce_max3A_24 : vector<1024xf32> to vector<1024x1xf32>
    %lt3A_26 = arith.constant 40 : i32
    %lt3A_27 = vector.broadcast %lt3A_26 : i32 to vector<1024x128xi32>
    %lt3A_28 = arith.cmpi slt, %iota3A, %lt3A_27 : vector<1024x128xi32>
    %sub3A = vector.broadcast %broadcast_in_dim3A_25 : vector<1024x1xf32> to vector<1024x128xf32>
    %sub3A_29 = arith.subf %select_n3A, %sub3A : vector<1024x128xf32>
    %exp3A = math.exp %sub3A_29 : vector<1024x128xf32>
    %jit3A_30 = arith.constant 0.000000e+00 : f32
    %broadcast_in_dim3A_31 = vector.broadcast %jit3A_30 : f32 to vector<1024x128xf32>
    %select_n3A_32 = arith.select %lt3A_28, %exp3A, %broadcast_in_dim3A_31 : vector<1024x128xi1>, vector<1024x128xf32>
    %reduce_sum3A = arith.constant dense<0.000000e+00> : vector<1024xf32>
    %reduce_sum3A_33 = vector.multi_reduction <add>, %select_n3A_32, %reduce_sum3A [1] : vector<1024x128xf32> to vector<1024xf32>
    %broadcast_in_dim3A_34 = vector.shape_cast %reduce_sum3A_33 : vector<1024xf32> to vector<1024x1xf32>
    %log3A = math.log %broadcast_in_dim3A_34 : vector<1024x1xf32>
    %add3A_35 = arith.addf %broadcast_in_dim3A_25, %log3A : vector<1024x1xf32>
    %sub3A_36 = vector.broadcast %add3A_35 : vector<1024x1xf32> to vector<1024x128xf32>
    %sub3A_37 = arith.subf %select_n3A, %sub3A_36 : vector<1024x128xf32>
    %swap3A = arith.constant 0 : index
    %swap3A_38 = arith.constant 0 : index
    %swap3A_39 = vector.load %arg5[%swap3A, %swap3A_38] : memref<1024x128xf32, #tpu.memory_space<vmem>>, vector<1024x128xf32>
    tpu.vector_store %arg5[%swap3A, %swap3A_38], %sub3A_37 {strides = array<i32>} : memref<1024x128xf32, #tpu.memory_space<vmem>>, vector<1024x128xf32>,
    return
  }
  func.func @transform_0(%arg0: i32) -> (i32, i32, i32) {
    %c0_i32 = arith.constant 0 : i32
    %c0_i32_0 = arith.constant 0 : i32
    %c0_i32_1 = arith.constant 0 : i32
    return %c0_i32, %arg0, %c0_i32_0 : i32, i32, i32
  }
  func.func @transform_1(%arg0: i32) -> (i32, i32) {
    %c0_i32 = arith.constant 0 : i32
    %c0_i32_0 = arith.constant 0 : i32
    return %arg0, %c0_i32 : i32, i32
  }
  func.func @transform_2(%arg0: i32) -> i32 {
    %c0_i32 = arith.constant 0 : i32
    return %arg0 : i32
  }
  func.func @transform_3(%arg0: i32) -> i32 {
    %c0_i32 = arith.constant 0 : i32
    %c0_i32_0 = arith.constant 0 : i32
    return %c0_i32 : i32
  }
  func.func @transform_4(%arg0: i32) -> (i32, i32) {
    %c0_i32 = arith.constant 0 : i32
    %c0_i32_0 = arith.constant 0 : i32
    return %arg0, %c0_i32 : i32, i32
  }
}

</mosaic_0001>

<sc_bundles>
// kernel: kernel.10.cloned.1.call-start
scs
__scs_entry_jumppad:
0x0: {  	(pc) =	sbr.rel $0x88, $3  }
0x1: {  	(tag) =	ssettag $0x0;
	lr =	simm.s32 $0x1  }
0x2: {  	[smem:$0x3F99] =	sst lr;
	_ =	strace $0xD0000000  }
0x3: {  	_ = 	snop  }
0x4: {  	_ = 	snop  }
0x5: {  	_ = 	snop  }
0x6: {  	_ = 	snop  }
0x7: {  	_ = 	snop  }
__scs_overlays_trampoline_lowered:
0x8: {  	[smem:$0x3FA8] =	sst s0  }
0x9: {  	[smem:$0x3FA9] =	sst s1  }
0xa: {  	[smem:$0x3FAA] =	sst s2  }
0xb: {  	[smem:$0x3FAB] =	sst s3  }
0xc: {  	[smem:$0x3FAC] =	sst s4  }
0xd: {  	[smem:$0x3FAD] =	sst s5  }
0xe: {  	[smem:$0x3FAE] =	sst s6  }
0xf: {  	[smem:$0x3FAF] =	sst s7  }
0x10: {  	[smem:$0x3FB0] =	sst s8  }
0x11: {  	[smem:$0x3FB1] =	sst s9;
	s0 =	simm.s32 @!p0 $0x0  }
0x12: {  	s1 =	sld [smem:$0x3F97];
	s0 =	simm.s32 @p0 $0x1  }
0x13: {  	[smem:$0x3FB2] =	sst s0;
	s0 =	simm.s32 @!p1 $0x0  }
0x14: {  	s2 =	sld [smem:$0x3F96];
	s0 =	simm.s32 @p1 $0x1  }
0x15: {  	[smem:$0x3FB3] =	sst s0;
	s0 =	simm.s32 @!p2 $0x0  }
0x16: {  	s3 =	sld [smem:$0x3FDB];
	s0 =	simm.s32 @p2 $0x1  }
0x17: {  	s4 =	simm.s32 $0x1BF5;
	[smem:$0x3FB5] =	sst s0  }
0x18: {  	s0 =	sld [smem:$0x3F98];
	_ =	swait.ge [sflag:s4], $0x0  }
0x19: {  	s7 =	sld [smem:$0x3F99]  }
0x1a: {  	s8 =	sadd.s32 $0xFFFFE003, lr  }
0x1b: {  	s9 =	sadd.s32 $0xFFFFFEF7, lr;
	s5 =	simm.s32 $0xFFFFFFFF;
	p2 =	slt.u32 s8, $0xFFFFF086  }
0x1c: {  	p1 =	slt.u32 s9, $0xF7A;
	s5 =	simm.s32 @!p2 $0x0  }
0x1d: {  	s5 =	simm.s32 @p1 $0x1;
	p0 =	seq.s32 s7, s2  }
0x1e: {  	s7 =	smul.u32 @!p0 $0xF7A, s2;
	p2 =	seq.s32 @!p0 s5, $0x0  }
0x1f: {  	s9 =	smul.u32 $0xF7A, s1;
	s8 =	simm.s32 @!p0 $0x1BF5;
	p2 =	por !p2, p0  }
0x20: {  	[sflag:s8] =	ssyncset.s32 @!p0 $0xFFFFF086;
	s6 =	sadd.s32 @!p0 s3, s7;
	s7 =	simm.s32 @!p0 $0x108  }
0x21: {  	s3 =	sadd.s32 s3, s9;
	s6 =	sadd.s32 @!p0 $0x88, s6;
	s7 =	simm.s32 @p2 $0x1082  }
0x22: {  	[simem:s7], [sflag:s8] =	dma.local @!p0 [hbm:s6], $0xF7A  }
0x23: {  	s9 =	sor.u32 $0xD0000000, s2;
	s6 =	simm.s32 $0x108;
	_ =	swait.ge @!p0 [sflag:s8], $0x0  }
0x24: {  	s3 =	sadd.s32 $0x88, s3;
	s6 =	simm.s32 @!p1 $0x1082;
	[sflag:s4] =	ssyncset.s32 $0xFFFFF086  }
0x25: {  	[simem:s6], [sflag:s4] =	dma.local [hbm:s3], $0xF7A  }
0x26: {  	[smem:$0x3F99] =	sst s1;
	(tag) =	ssettag s2;
	_ =	strace s9  }
0x27: {  	s1 =	sld [smem:$0x3FA9]  }
0x28: {  	s2 =	sld [smem:$0x3FAA]  }
0x29: {  	s4 =	sld [smem:$0x3FAC]  }
0x2a: {  	p0 =	seq.s32 s5, $0x0;
	s5 =	sld [smem:$0x3FAD]  }
0x2b: {  	s6 =	sld [smem:$0x3FAE]  }
0x2c: {  	s7 =	sld [smem:$0x3FAF]  }
0x2d: {  	s3 =	simm.s32 $0x108;
	s8 =	sld [smem:$0x3FB0]  }
0x2e: {  	s3 =	simm.s32 @!p0 $0x1082;
	s9 =	sld [smem:$0x3FB1]  }
0x2f: {  	lr =	sadd.s32 s0, s3;
	s0 =	sld [smem:$0x3FA8]  }
0x30: {  	s3 =	sld [smem:$0x3FAB]  }
0x31: {  	[smem:$0x3FB4] =	sst s10  }
0x32: {  	s10 =	sld [smem:$0x3FB2];
	_ =	sdelay $0x3  }
0x33: {  	p0 =	seq.s32 s10, $0x1;
	s10 =	sld [smem:$0x3FB4];
	_ =	sdelay $0x3  }
0x34: {  	[smem:$0x3FB4] =	sst s10  }
0x35: {  	s10 =	sld [smem:$0x3FB3];
	_ =	sdelay $0x3  }
0x36: {  	p1 =	seq.s32 s10, $0x1;
	s10 =	sld [smem:$0x3FB4];
	_ =	sdelay $0x3  }
0x37: {  	[smem:$0x3FB4] =	sst s10  }
0x38: {  	s10 =	sld [smem:$0x3FB5]  }
0x39: {  	_ = 	snop;
	(pc) =	sbr.ind lr, $3  }
0x3a: {  	_ = 	snop  }
0x3b: {  	_ = 	snop  }
0x3c: {  	p2 =	seq.s32 s10, $0x1;
	s10 =	sld [smem:$0x3FB4]  }
0x3d: {  	_ =	shalt  }
0x3e: {  	_ =	shalt  }
0x3f: {  	_ =	shalt  }
0x40: {  	_ =	shalt  }
0x41: {  	_ =	shalt  }
0x42: {  	_ =	shalt  }
0x43: {  	_ =	shalt  }
0x44: {  	_ =	shalt  }
0x45: {  	_ =	shalt  }
0x46: {  	_ =	shalt  }
0x47: {  	_ =	shalt  }
0x48: {  	_ =	shalt  }
0x49: {  	_ =	shalt  }
0x4a: {  	_ =	shalt  }
0x4b: {  	_ =	shalt  }
0x4c: {  	_ =	shalt  }
0x4d: {  	_ =	shalt  }
0x4e: {  	_ =	shalt  }
0x4f: {  	_ =	shalt  }
0x50: {  	_ =	shalt  }
0x51: {  	_ =	shalt  }
0x52: {  	_ =	shalt  }
0x53: {  	_ =	shalt  }
0x54: {  	_ =	shalt  }
0x55: {  	_ =	shalt  }
0x56: {  	_ =	shalt  }
0x57: {  	_ =	shalt  }
0x58: {  	_ =	shalt  }
0x59: {  	_ =	shalt  }
0x5a: {  	_ =	shalt  }
0x5b: {  	_ =	shalt  }
0x5c: {  	_ =	shalt  }
0x5d: {  	_ =	shalt  }
0x5e: {  	_ =	shalt  }
0x5f: {  	_ =	shalt  }
0x60: {  	_ =	shalt  }
0x61: {  	_ =	shalt  }
0x62: {  	_ =	shalt  }
0x63: {  	_ =	shalt  }
0x64: {  	_ =	shalt  }
0x65: {  	_ =	shalt  }
0x66: {  	_ =	shalt  }
0x67: {  	_ =	shalt  }
0x68: {  	_ =	shalt  }
0x69: {  	_ =	shalt  }
0x6a: {  	_ =	shalt  }
0x6b: {  	_ =	shalt  }
0x6c: {  	_ =	shalt  }
0x6d: {  	_ =	shalt  }
0x6e: {  	_ =	shalt  }
0x6f: {  	_ =	shalt  }
0x70: {  	_ =	shalt  }
0x71: {  	_ =	shalt  }
0x72: {  	_ =	shalt  }
0x73: {  	_ =	shalt  }
0x74: {  	_ =	shalt  }
0x75: {  	_ =	shalt  }
0x76: {  	_ =	shalt  }
0x77: {  	_ =	shalt  }
0x78: {  	_ =	shalt  }
0x79: {  	_ =	shalt  }
0x7a: {  	_ =	shalt  }
0x7b: {  	_ =	shalt  }
0x7c: {  	_ =	shalt  }
0x7d: {  	_ =	shalt  }
0x7e: {  	_ =	shalt  }
0x7f: {  	_ =	shalt  }
0x80: {  	_ =	shalt  }
0x81: {  	_ =	shalt  }
0x82: {  	_ =	shalt  }
0x83: {  	_ =	shalt  }
0x84: {  	_ =	shalt  }
0x85: {  	_ =	shalt  }
0x86: {  	_ =	shalt  }
0x87: {  	_ =	shalt  }
.Lfunc_end0:
.L_simem_size_0:
called_computation_lowered:
.L_overlay_start_0:
0x88: {  	s2 =	sld [smem:$0x3FD9]  }
0x89: {  	s3 =	sld [smem:$0x3FFE];
	_ =	sdelay $0x1  }
0x8a: {  	s1 =	srdreg.scid  }
0x8b: {  	s0 =	sand.u32 $0x1, s1  }
0x8c: {  	s16 =	sshll.u32 s0, $0xA;
	s2 =	sadd.s32 s3, s2  }
0x8d: {  	s2 =	sadd.s32 s2, s16  }
0x8e: {  	[smem:$0x3FC0] =	sst s2  }
0x8f: {  	_ = 	snop  }
0x90: {  	(tm) =	ssettm $0x1  }
0x91: {  	s17 =	sld [smem:$0x3FFB];
	_ =	sdelay $0x3  }
0x92: {  	_ =	strace s17  }
0x93: {  	s2 =	sld [smem:$0x3FFC];
	_ =	sdelay $0x3  }
0x94: {  	_ =	strace s2  }
0x95: {  	s2 =	sld [smem:$0x3FFD];
	_ =	sdelay $0x3  }
0x96: {  	_ =	strace s2  }
0x97: {  	_ =	strace $0x8FFFFFFF  }
0x98: {  	s18 =	sld [smem:$0x3FDB];
	_ =	sdelay $0x1  }
0x99: {  	s19 =	simm.s32 $_scs_section_size  }
0x9a: {  	s4 =	simm.s32 $_size__tile_overlayer_lowered;
	s5 =	simm.s32 $_tile_overlayer_lowered  }
0x9b: {  	s22 =	simm.s32 $0x1BFF;
	s21 =	sshll.u32 s5, $0x1;
	s2 =	sadd.s32 s19, s18  }
0x9c: {  	s6 =	simm.s32 $0x0;
	s20 =	sshll.u32 s4, $0x1;
	s4 =	sadd.s32 s21, s2  }
0x9d: {  	[timem:s6], [sflag:s22] =	dma.local [hbm:s4], s20  }
0x9e: {  	_ =	swait.ge [sflag:s22], s20  }
0x9f: {  	s3 =	ssub.s32 $0x0, s20;
	[sflag:s22] =	ssyncset.done $0x0  }
0xa0: {  	[sflag:s22] =	ssyncadd.s32 s3;
	_ =	sdelay $0x1  }
0xa1: {  	s23 =	simm.s32 $0x1B8B  }
0xa2: {  	_ =	swait.ge [sflag:s23], $0x1  }
0xa3: {  	[sflag:s23] =	ssyncset.done $0x0  }
0xa4: {  	s25 =	simm.s32 $0x1B8E;
	s24 =	sld [smem:$0x3FFE];
	[sflag:s23] =	ssyncadd.s32 $0xFFFFFFFF  }
0xa5: {  	s26 =	simm.s32 $execute0_lowered;
	[smem:$0x3FD2] =	sst s25  }
0xa6: {  	s4 =	sshll.u32 s26, $0x1;
	_ =	strace $0x80000046;
	[dreg:$0x1] =	wrdreg $0xFFFFFFFF  }
0xa7: {  	s28 =	simm.s32 $_size_execute0_lowered;
	s2 =	sadd.s32 s2, s4;
	[dreg:$0x0] =	wrdreg $0x0  }
0xa8: {  	s4 =	sshll.u32 s28, $0x1;
	[dreg:$0x2] =	wrdreg s2  }
0xa9: {  	[dreg:$0x3] =	wrdreg s4  }
0xaa: {  	[dreg:$0x4] =	wrdreg $0xC0  }
0xab: {  	_ =	task [dreg:s6], $0x5FFFF  }
0xac: {  	[dreg:$0x1] =	wrdreg $0xFFFFFFFF  }
0xad: {  	[dreg:$0x0] =	wrdreg $0x60  }
0xae: {  	[dreg:$0x2] =	wrdreg s24  }
0xaf: {  	[dreg:$0x3] =	wrdreg $0x68000  }
0xb0: {  	[dreg:$0x4] =	wrdreg $0x9  }
0xb1: {  	_ =	task.clear_ibuf [dreg:s6], $0x5FFFF;
	_ =	strace $0x90000046  }
0xb2: {  	s29 =	simm.s32 $0x9;
	_ =	strace $0x80000048  }
0xb3: {  	_ =	swait.ge [sflag:s29], $0x1  }
0xb4: {  	[sflag:s29] =	ssyncadd.s32 $0xFFFFFFFF  }
0xb5: {  	_ =	strace $0x90000048  }
0xb6: {  	_ =	sfence  }
0xb7: {  	s30 =	sld [smem:$0x0];
	_ =	sdelay $0x2  }
0xb8: {  	s31 =	sshll.u32 s1, $0xD;
	s1 =	sshrl.u32 s1, $0x2  }
0xb9: {  	s3 =	sand.u32 $0x4000, s31;
	s1 =	sadd.s32 s1, s30  }
0xba: {  	s0 =	sor.u32 s3, s0;
	s1 =	sshll.u32 s1, $0x11  }
0xbb: {  	s0 =	sor.u32 s1, s0  }
0xbc: {  	s0 =	sadd.s32 $0x8F2B, s0  }
0xbd: {  	[sflag:s0] =	ssyncadd.remote.s32 $0x1  }
0xbe: {  	_ =	sfence.sel $0xFFFF  }
0xbf: {  	[dreg:$0x0] =	wrdreg $0xFFFFFFFF;
	(pc) =	sbr.abs _section_cstart, $3  }
0xc0: {  	[dreg:$0x1] =	wrdreg $0xFFFFFFFF  }
0xc1: {  	_ =	task.clear_ibuf [dreg:s6], $0x2FFFF;
	_ =	strace $0x9FFFFFFF  }
0xc2: {  	(tm) =	ssettm $0x7FFFFFFF  }
0xc3: {  	_ =	shalt  }
tec
execute0_lowered:
.L_overlay_start_1:
0x0: {  	(tag) =	ssettag $0x1  }
0x1: {  	s5 =	rddreg [dreg:$0x0]  }
0x2: {  	s0 =	srdreg.scid;
	s2 =	rddreg [dreg:$0x1]  }
0x3: {  	s3 =	simm.s32 $0x0;
	s10 =	sand.u32 $0x1, s0;
	s0 =	stileid.u32  }
0x4: {  	s14 =	simm.s32 $0x80;
	s15 =	simm.s32 $0x0;
	s6 =	smul.u32 $0x14000, s0  }
0x5: {  	[smem:$0x7FF] =	sst s3;
	s1 =	sshll.u32 s10, $0x4;
	s7 =	smul.u32 $0x140000, s10  }
0x6: {  	s28 =	ssub.s32 $0x2, s10;
	s11 =	smul.u32 $0x50000, s0;
	s31 =	sshll.u32 s0, $0x6  }
0x7: {  	s10 =	sor.u32 $0x4E, s10;
	s1 =	sor.u32 s0, s1;
	s29 =	sshrl.u32 s28, $0x1  }
0x8: {  	s4 =	smul.u32 $0x500, s1;
	s1 =	rddreg [dreg:$0x2];
	_ =	strace $0x80000047  }
0x9: {  	s9 =	sshrl.u32 s6, $0x3;
	s6 =	sadd.s32 s6, s7;
	s13 =	ssub.s32 s28, s29  }
0xa: {  	s30 =	sshrl.u32 s11, $0x2;
	s6 =	sshrl.u32 s6, $0x3;
	s9 =	sadd.s32 s9, s5  }
0xb: {  	s11 =	sadd.s32 s30, s2;
	s8 =	sadd.s32 s4, s5;
	s4 =	sadd.s32 $0x34000, s5  }
0xc: {  	s12 =	sadd.s32 s6, s5;
	s5 =	sadd.s32 $0xC000, s9;
	s6 =	sor.u32 $0x1C01, s31  }
0xd: {  	s9 =	smax.u32 s13, $0x1;
	s11 =	sshrl.u32 s11, $0x3;
	s13 =	simm.s32 $0x2800  }
0xe: {  	s7 =	sadd.s32 $0x2000, s8;
	s8 =	sadd.s32 $0x34800, s12;
	s12 =	simm.s32 $0x1  }
.LBB2_1:
0xf: {  	[spmem:s11], [sflag:s6] =	dma.local [hbm:s5], $0x2800  }
0x10: {  	_ =	swait.ge [sflag:s12], $0x2800  }
0x11: {  	[sflag:s12] =	ssyncset.done $0x0  }
0x12: {  	[sflag:s12] =	ssyncadd.s32 $0xFFFFD800  }
0x13: {  	[tilespmem:s13], [sflag:$0x1] =	stream.linear.gather [hbm4b:s4+s3], $0x4000, $0x38;
	[tilespmem:$0x1A800] =	vst v63  }
0x14: {  	_ =	swait.ge [sflag:s12], $0x4000  }
0x15: {  	[sflag:s12] =	ssyncset.done $0x0  }
0x16: {  	[sflag:s12] =	ssyncadd.s32 $0xFFFFC000  }
0x17: {  	[tilespmem:s3], [sflag:$0x1] =	stream.linear.gather [hbm4b:s7+s3], $0x2780, $0x38;
	[tilespmem:$0x1A800] =	vst v63  }
0x18: {  	_ =	swait.ge [sflag:s12], $0x2780  }
0x19: {  	p0 =	sne.s32 s10, $0x1;
	[sflag:s12] =	ssyncset.done $0x0  }
.Ltmp0:
0x1a: {  	[sflag:s12] =	ssyncadd.s32 $0xFFFFD880;
	(pc) =	sbr.rel @!p0 .LBB2_3-.Ltmp0, $4  }
0x1b: {  	[bflag:$0x0] =	sbarrier.arrive $0xFFFF  }
0x1c: {  	[spmem:s2] =	stream.indirect.scatter.add.f32 [tilespmem:s13], [sflag:$0x1], $0x80, s3, s14, $0xb8;
	[tilespmem:$0x1A800] =	vst v63  }
0x1d: {  	_ =	swait.ge [sflag:s12], $0x4000  }
0x1e: {  	s16 =	sadd.s32 $0xFFFFFFFF, s10;
	s17 =	simm.s32 $0x0;
	[sflag:s12] =	ssyncset.done $0x0  }
.LBB2_2:
0x1f: {  	p0 =	sne.s32 s16, $0x1;
	[sflag:s12] =	ssyncadd.s32 $0xFFFFC000;
	s17 =	sadd.s32 $0x80, s17  }
.Ltmp1:
0x20: {  	s16 =	sadd.s32 $0xFFFFFFFF, s16;
	(pc) =	sbr.rel @p0 .LBB2_2-.Ltmp1, $4  }
0x21: {  	_ = 	snop  }
0x22: {  	[spmem:s2] =	stream.indirect.scatter.add.f32 [tilespmem:s13], [sflag:$0x1], $0x80, s17, s14, $0xb8;
	[tilespmem:$0x1A800] =	vst v63  }
0x23: {  	_ =	swait.ge [sflag:s12], $0x4000  }
0x24: {  	[sflag:s12] =	ssyncset.done $0x0  }
.LBB2_3:
0x25: {  	s15 =	sadd.s32 $0x1, s15  }
0x26: {  	[sflag:s12] =	ssyncadd.s32 $0xFFFFC000;
	p0 =	sne.s32 s15, s9  }
.Ltmp2:
0x27: {  	[bflag:$0x0] =	sbarrier.arrive $0xFFFF;
	(pc) =	sbr.rel @p0 .LBB2_1-.Ltmp2, $4  }
0x28: {  	[hbm:s8], [sflag:s6] =	dma.local [spmem:s11], $0x2800  }
0x29: {  	_ =	swait.ge [sflag:s12], $0x2800  }
0x2a: {  	[sflag:s12] =	ssyncset.done $0x0  }
0x2b: {  	[sflag:s12] =	ssyncadd.s32 $0xFFFFD800  }
0x2c: {  	_ =	sfence.sel $0x180000  }
0x2d: {  	[bflag:$0x0] =	sbarrier.arrive $0xFFFF  }
0x2e: {  	p0 =	sne.s32 s0, $0x0;
	_ =	strace $0x90000047  }
0x2f: {  	s0 =	sadd.s32 @!p0 $0x100000, s1;
	[bflag:$0x2] =	sbarrier.arrive $0xFFFF  }
0x30: {  	[sflag:s0] =	ssyncadd.tile.s32 @!p0 $0x1;
	_ =	shalt  }
.Lfunc_end2:
_tile_overlayer_lowered:
.L_overlay_start_2:
0x31: {  	(tag) =	ssettag $0x2  }
0x32: {  	s0 =	rddreg [dreg:$0x0];
	s2 =	stileid.u32  }
0x33: {  	s1 =	rddreg [dreg:$0x1];
	p0 =	sne.s32 s2, $0x0  }
0x34: {  	s3 =	rddreg [dreg:$0x2];
	[bflag:$0x3] =	sbarrier.arrive $0xFFFF;
	s2 =	simm.s32 @!p0 $0x1C01  }
0x35: {  	[timem:s3], [sflag:s2] =	dma.local @!p0 [hbm:s0], s1  }
0x36: {  	s0 =	simm.s32 @!p0 $0x1  }
0x37: {  	_ =	swait.ge @!p0 [sflag:s0], s1  }
0x38: {  	s1 =	ssub.s32 @!p0 $0x0, s1;
	[sflag:s0] =	ssyncset.done @!p0 $0x0  }
0x39: {  	[sflag:s0] =	ssyncadd.s32 @!p0 s1  }
0x3a: {  	[bflag:$0x3] =	sbarrier.arrive $0xFFFF  }
0x3b: {  	_ =	shalt  }

// kernel: kernel.13.cloned.1.call-start
scs
__scs_entry_jumppad:
0x0: {  	(pc) =	sbr.rel $0x88, $3  }
0x1: {  	(tag) =	ssettag $0x0;
	lr =	simm.s32 $0x1  }
0x2: {  	[smem:$0x3F99] =	sst lr;
	_ =	strace $0xD0000000  }
0x3: {  	_ = 	snop  }
0x4: {  	_ = 	snop  }
0x5: {  	_ = 	snop  }
0x6: {  	_ = 	snop  }
0x7: {  	_ = 	snop  }
__scs_overlays_trampoline_lowered:
0x8: {  	[smem:$0x3FA8] =	sst s0  }
0x9: {  	[smem:$0x3FA9] =	sst s1  }
0xa: {  	[smem:$0x3FAA] =	sst s2  }
0xb: {  	[smem:$0x3FAB] =	sst s3  }
0xc: {  	[smem:$0x3FAC] =	sst s4  }
0xd: {  	[smem:$0x3FAD] =	sst s5  }
0xe: {  	[smem:$0x3FAE] =	sst s6  }
0xf: {  	[smem:$0x3FAF] =	sst s7  }
0x10: {  	[smem:$0x3FB0] =	sst s8  }
0x11: {  	[smem:$0x3FB1] =	sst s9;
	s0 =	simm.s32 @!p0 $0x0  }
0x12: {  	s1 =	sld [smem:$0x3F97];
	s0 =	simm.s32 @p0 $0x1  }
0x13: {  	[smem:$0x3FB2] =	sst s0;
	s0 =	simm.s32 @!p1 $0x0  }
0x14: {  	s2 =	sld [smem:$0x3F96];
	s0 =	simm.s32 @p1 $0x1  }
0x15: {  	[smem:$0x3FB3] =	sst s0;
	s0 =	simm.s32 @!p2 $0x0  }
0x16: {  	s3 =	sld [smem:$0x3FDB];
	s0 =	simm.s32 @p2 $0x1  }
0x17: {  	s4 =	simm.s32 $0x1BF5;
	[smem:$0x3FB5] =	sst s0  }
0x18: {  	s0 =	sld [smem:$0x3F98];
	_ =	swait.ge [sflag:s4], $0x0  }
0x19: {  	s7 =	sld [smem:$0x3F99]  }
0x1a: {  	s8 =	sadd.s32 $0xFFFFE003, lr  }
0x1b: {  	s9 =	sadd.s32 $0xFFFFFEF7, lr;
	s5 =	simm.s32 $0xFFFFFFFF;
	p2 =	slt.u32 s8, $0xFFFFF086  }
0x1c: {  	p1 =	slt.u32 s9, $0xF7A;
	s5 =	simm.s32 @!p2 $0x0  }
0x1d: {  	s5 =	simm.s32 @p1 $0x1;
	p0 =	seq.s32 s7, s2  }
0x1e: {  	s7 =	smul.u32 @!p0 $0xF7A, s2;
	p2 =	seq.s32 @!p0 s5, $0x0  }
0x1f: {  	s9 =	smul.u32 $0xF7A, s1;
	s8 =	simm.s32 @!p0 $0x1BF5;
	p2 =	por !p2, p0  }
0x20: {  	[sflag:s8] =	ssyncset.s32 @!p0 $0xFFFFF086;
	s6 =	sadd.s32 @!p0 s3, s7;
	s7 =	simm.s32 @!p0 $0x108  }
0x21: {  	s3 =	sadd.s32 s3, s9;
	s6 =	sadd.s32 @!p0 $0x88, s6;
	s7 =	simm.s32 @p2 $0x1082  }
0x22: {  	[simem:s7], [sflag:s8] =	dma.local @!p0 [hbm:s6], $0xF7A  }
0x23: {  	s9 =	sor.u32 $0xD0000000, s2;
	s6 =	simm.s32 $0x108;
	_ =	swait.ge @!p0 [sflag:s8], $0x0  }
0x24: {  	s3 =	sadd.s32 $0x88, s3;
	s6 =	simm.s32 @!p1 $0x1082;
	[sflag:s4] =	ssyncset.s32 $0xFFFFF086  }
0x25: {  	[simem:s6], [sflag:s4] =	dma.local [hbm:s3], $0xF7A  }
0x26: {  	[smem:$0x3F99] =	sst s1;
	(tag) =	ssettag s2;
	_ =	strace s9  }
0x27: {  	s1 =	sld [smem:$0x3FA9]  }
0x28: {  	s2 =	sld [smem:$0x3FAA]  }
0x29: {  	s4 =	sld [smem:$0x3FAC]  }
0x2a: {  	p0 =	seq.s32 s5, $0x0;
	s5 =	sld [smem:$0x3FAD]  }
0x2b: {  	s6 =	sld [smem:$0x3FAE]  }
0x2c: {  	s7 =	sld [smem:$0x3FAF]  }
0x2d: {  	s3 =	simm.s32 $0x108;
	s8 =	sld [smem:$0x3FB0]  }
0x2e: {  	s3 =	simm.s32 @!p0 $0x1082;
	s9 =	sld [smem:$0x3FB1]  }
0x2f: {  	lr =	sadd.s32 s0, s3;
	s0 =	sld [smem:$0x3FA8]  }
0x30: {  	s3 =	sld [smem:$0x3FAB]  }
0x31: {  	[smem:$0x3FB4] =	sst s10  }
0x32: {  	s10 =	sld [smem:$0x3FB2];
	_ =	sdelay $0x3  }
0x33: {  	p0 =	seq.s32 s10, $0x1;
	s10 =	sld [smem:$0x3FB4];
	_ =	sdelay $0x3  }
0x34: {  	[smem:$0x3FB4] =	sst s10  }
0x35: {  	s10 =	sld [smem:$0x3FB3];
	_ =	sdelay $0x3  }
0x36: {  	p1 =	seq.s32 s10, $0x1;
	s10 =	sld [smem:$0x3FB4];
	_ =	sdelay $0x3  }
0x37: {  	[smem:$0x3FB4] =	sst s10  }
0x38: {  	s10 =	sld [smem:$0x3FB5]  }
0x39: {  	_ = 	snop;
	(pc) =	sbr.ind lr, $3  }
0x3a: {  	_ = 	snop  }
0x3b: {  	_ = 	snop  }
0x3c: {  	p2 =	seq.s32 s10, $0x1;
	s10 =	sld [smem:$0x3FB4]  }
0x3d: {  	_ =	shalt  }
0x3e: {  	_ =	shalt  }
0x3f: {  	_ =	shalt  }
0x40: {  	_ =	shalt  }
0x41: {  	_ =	shalt  }
0x42: {  	_ =	shalt  }
0x43: {  	_ =	shalt  }
0x44: {  	_ =	shalt  }
0x45: {  	_ =	shalt  }
0x46: {  	_ =	shalt  }
0x47: {  	_ =	shalt  }
0x48: {  	_ =	shalt  }
0x49: {  	_ =	shalt  }
0x4a: {  	_ =	shalt  }
0x4b: {  	_ =	shalt  }
0x4c: {  	_ =	shalt  }
0x4d: {  	_ =	shalt  }
0x4e: {  	_ =	shalt  }
0x4f: {  	_ =	shalt  }
0x50: {  	_ =	shalt  }
0x51: {  	_ =	shalt  }
0x52: {  	_ =	shalt  }
0x53: {  	_ =	shalt  }
0x54: {  	_ =	shalt  }
0x55: {  	_ =	shalt  }
0x56: {  	_ =	shalt  }
0x57: {  	_ =	shalt  }
0x58: {  	_ =	shalt  }
0x59: {  	_ =	shalt  }
0x5a: {  	_ =	shalt  }
0x5b: {  	_ =	shalt  }
0x5c: {  	_ =	shalt  }
0x5d: {  	_ =	shalt  }
0x5e: {  	_ =	shalt  }
0x5f: {  	_ =	shalt  }
0x60: {  	_ =	shalt  }
0x61: {  	_ =	shalt  }
0x62: {  	_ =	shalt  }
0x63: {  	_ =	shalt  }
0x64: {  	_ =	shalt  }
0x65: {  	_ =	shalt  }
0x66: {  	_ =	shalt  }
0x67: {  	_ =	shalt  }
0x68: {  	_ =	shalt  }
0x69: {  	_ =	shalt  }
0x6a: {  	_ =	shalt  }
0x6b: {  	_ =	shalt  }
0x6c: {  	_ =	shalt  }
0x6d: {  	_ =	shalt  }
0x6e: {  	_ =	shalt  }
0x6f: {  	_ =	shalt  }
0x70: {  	_ =	shalt  }
0x71: {  	_ =	shalt  }
0x72: {  	_ =	shalt  }
0x73: {  	_ =	shalt  }
0x74: {  	_ =	shalt  }
0x75: {  	_ =	shalt  }
0x76: {  	_ =	shalt  }
0x77: {  	_ =	shalt  }
0x78: {  	_ =	shalt  }
0x79: {  	_ =	shalt  }
0x7a: {  	_ =	shalt  }
0x7b: {  	_ =	shalt  }
0x7c: {  	_ =	shalt  }
0x7d: {  	_ =	shalt  }
0x7e: {  	_ =	shalt  }
0x7f: {  	_ =	shalt  }
0x80: {  	_ =	shalt  }
0x81: {  	_ =	shalt  }
0x82: {  	_ =	shalt  }
0x83: {  	_ =	shalt  }
0x84: {  	_ =	shalt  }
0x85: {  	_ =	shalt  }
0x86: {  	_ =	shalt  }
0x87: {  	_ =	shalt  }
.Lfunc_end0:
.L_simem_size_0:
called_computation.1_lowered:
.L_overlay_start_0:
0x88: {  	s2 =	sld [smem:$0x3FD9]  }
0x89: {  	s3 =	sld [smem:$0x3FFE];
	_ =	sdelay $0x1  }
0x8a: {  	s1 =	srdreg.scid  }
0x8b: {  	s0 =	sand.u32 $0x1, s1  }
0x8c: {  	s17 =	sshll.u32 s0, $0xA;
	s2 =	sadd.s32 s3, s2  }
0x8d: {  	s2 =	sadd.s32 s2, s17  }
0x8e: {  	[smem:$0x3FC0] =	sst s2  }
0x8f: {  	_ = 	snop  }
0x90: {  	s2 =	sld [smem:$0x3FD0];
	(tm) =	ssettm $0x1  }
0x91: {  	s18 =	sld [smem:$0x3FFB];
	_ =	sdelay $0x3  }
0x92: {  	_ =	strace s18  }
0x93: {  	s3 =	sld [smem:$0x3FFC];
	_ =	sdelay $0x3  }
0x94: {  	_ =	strace s3  }
0x95: {  	s3 =	sld [smem:$0x3FFD];
	_ =	sdelay $0x3  }
0x96: {  	_ =	strace s3  }
0x97: {  	_ =	strace $0x8FFFFFFF  }
0x98: {  	s19 =	sld [smem:$0x3FDB];
	_ =	sdelay $0x1  }
0x99: {  	s4 =	simm.s32 $_scs_section_size  }
0x9a: {  	s5 =	simm.s32 $_size__tile_overlayer_lowered;
	s6 =	simm.s32 $_tile_overlayer_lowered  }
0x9b: {  	s22 =	simm.s32 $0x1BFF;
	s21 =	sshll.u32 s6, $0x1;
	s3 =	sadd.s32 s4, s19  }
0x9c: {  	s7 =	simm.s32 $0x0;
	s20 =	sshll.u32 s5, $0x1;
	s5 =	sadd.s32 s21, s3  }
0x9d: {  	[timem:s7], [sflag:s22] =	dma.local [hbm:s5], s20  }
0x9e: {  	_ =	swait.ge [sflag:s22], s20  }
0x9f: {  	s4 =	ssub.s32 $0x0, s20;
	[sflag:s22] =	ssyncset.done $0x0  }
0xa0: {  	[sflag:s22] =	ssyncadd.s32 s4;
	_ =	sdelay $0x1  }
0xa1: {  	s23 =	simm.s32 $0x1B8B  }
0xa2: {  	_ =	swait.ge [sflag:s23], $0x1  }
0xa3: {  	[sflag:s23] =	ssyncset.done $0x0  }
0xa4: {  	s25 =	simm.s32 $0x1B8E;
	s24 =	sld [smem:$0x3FFE];
	[sflag:s23] =	ssyncadd.s32 $0xFFFFFFFF  }
0xa5: {  	s26 =	simm.s32 $execute0_lowered;
	[smem:$0x3FD2] =	sst s25  }
0xa6: {  	s5 =	sshll.u32 s26, $0x1;
	_ =	strace $0x80000049;
	[dreg:$0x1] =	wrdreg $0xFFFFFFFF  }
0xa7: {  	s28 =	simm.s32 $_size_execute0_lowered;
	s3 =	sadd.s32 s3, s5;
	[dreg:$0x0] =	wrdreg $0x0  }
0xa8: {  	s5 =	sshll.u32 s28, $0x1;
	[dreg:$0x2] =	wrdreg s3  }
0xa9: {  	[dreg:$0x3] =	wrdreg s5  }
0xaa: {  	[dreg:$0x4] =	wrdreg $0xC0  }
0xab: {  	_ =	task [dreg:s7], $0x5FFFF  }
0xac: {  	[dreg:$0x1] =	wrdreg $0xFFFFFFFF  }
0xad: {  	[dreg:$0x0] =	wrdreg $0x60  }
0xae: {  	[dreg:$0x2] =	wrdreg s24  }
0xaf: {  	[dreg:$0x3] =	wrdreg s2  }
0xb0: {  	[dreg:$0x4] =	wrdreg $0xA0000  }
0xb1: {  	[dreg:$0x5] =	wrdreg $0x9  }
0xb2: {  	_ =	task.clear_ibuf [dreg:s7], $0x6FFFF;
	_ =	strace $0x90000049  }
0xb3: {  	s29 =	simm.s32 $0x9;
	_ =	strace $0x8000004B  }
0xb4: {  	_ =	swait.ge [sflag:s29], $0x1  }
0xb5: {  	[sflag:s29] =	ssyncadd.s32 $0xFFFFFFFF  }
0xb6: {  	_ =	strace $0x9000004B  }
0xb7: {  	_ =	sfence  }
0xb8: {  	s30 =	sld [smem:$0x0];
	_ =	sdelay $0x2  }
0xb9: {  	s31 =	sshll.u32 s1, $0xD;
	s1 =	sshrl.u32 s1, $0x2  }
0xba: {  	s3 =	sand.u32 $0x4000, s31;
	s1 =	sadd.s32 s1, s30  }
0xbb: {  	s0 =	sor.u32 s3, s0;
	s1 =	sshll.u32 s1, $0x11  }
0xbc: {  	s0 =	sor.u32 s1, s0  }
0xbd: {  	s0 =	sadd.s32 $0x8F2B, s0  }
0xbe: {  	[sflag:s0] =	ssyncadd.remote.s32 $0x1  }
0xbf: {  	_ =	sfence.sel $0xFFFF  }
0xc0: {  	[dreg:$0x0] =	wrdreg $0xFFFFFFFF;
	(pc) =	sbr.abs _section_cstart, $3  }
0xc1: {  	[dreg:$0x1] =	wrdreg $0xFFFFFFFF  }
0xc2: {  	_ =	task.clear_ibuf [dreg:s7], $0x2FFFF;
	_ =	strace $0x9FFFFFFF  }
0xc3: {  	(tm) =	ssettm $0x7FFFFFFF  }
tec
execute0_lowered:
.L_overlay_start_1:
0x0: {  	(tag) =	ssettag $0x1  }
0x1: {  	s6 =	rddreg [dreg:$0x0]  }
0x2: {  	s8 =	rddreg [dreg:$0x1]  }
0x3: {  	s0 =	srdreg.scid;
	s2 =	rddreg [dreg:$0x2];
	s3 =	simm.s32 $0x0  }
0x4: {  	s16 =	simm.s32 $0x1;
	s5 =	sand.u32 $0x1, s0;
	s0 =	stileid.u32  }
0x5: {  	s17 =	simm.s32 $0x0;
	[smem:$0x7FF] =	sst s3;
	s7 =	smul.u32 $0x14000, s0  }
0x6: {  	s4 =	sadd.s32 $0x34000, s6;
	s1 =	sshll.u32 s5, $0x4;
	s10 =	smul.u32 $0x140000, s5  }
0x7: {  	s29 =	ssub.s32 $0x2, s5;
	s14 =	smul.u32 $0x50000, s0;
	p0 =	seq.s32 s5, $0x0  }
0x8: {  	s5 =	simm.s32 $0x5C;
	s31 =	sshll.u32 s0, $0x6;
	s1 =	sor.u32 s0, s1  }
0x9: {  	s13 =	sshrl.u32 s29, $0x1;
	s5 =	simm.s32 @!p0 $0x41;
	s9 =	smul.u32 $0x600, s1  }
0xa: {  	s1 =	rddreg [dreg:$0x3];
	_ =	strace $0x8000004A;
	s12 =	sshrl.u32 s7, $0x3  }
0xb: {  	s7 =	sadd.s32 s7, s10;
	s13 =	ssub.s32 s29, s13;
	s30 =	sshrl.u32 s14, $0x2  }
0xc: {  	s7 =	sshrl.u32 s7, $0x3;
	s12 =	sadd.s32 s12, s6;
	s14 =	sadd.s32 s30, s2  }
0xd: {  	s11 =	sadd.s32 s9, s6;
	s15 =	sadd.s32 s7, s6;
	s6 =	sadd.s32 $0xC000, s12  }
0xe: {  	s7 =	sor.u32 $0x1C02, s31;
	s8 =	sadd.s32 s8, s9;
	s12 =	sshrl.u32 s14, $0x3  }
0xf: {  	s14 =	simm.s32 $0x80;
	s9 =	sadd.s32 $0x84800, s11;
	s10 =	sadd.s32 $0x90800, s15  }
0x10: {  	s11 =	smax.u32 s13, $0x1;
	s13 =	simm.s32 $0x2;
	s15 =	simm.s32 $0x6000  }
.LBB2_1:
0x11: {  	[spmem:s12], [sflag:s7] =	dma.local [hbm:s6], $0x2800  }
0x12: {  	_ =	swait.ge [sflag:s13], $0x2800  }
0x13: {  	[sflag:s13] =	ssyncset.done $0x0  }
0x14: {  	[sflag:s13] =	ssyncadd.s32 $0xFFFFD800  }
0x15: {  	[tilespmem:s3], [sflag:$0x2] =	stream.linear.gather [hbm4b:s8+s3], $0x2E00, $0x38;
	[tilespmem:$0x1E000] =	vst v63  }
0x16: {  	_ =	swait.ge [sflag:s13], $0x2E00  }
0x17: {  	[sflag:s13] =	ssyncset.done $0x0  }
0x18: {  	s18 =	simm.s32 $0x3000;
	[sflag:s13] =	ssyncadd.s32 $0xFFFFD200  }
0x19: {  	[tilespmem:s18], [sflag:$0x2] =	stream.linear.gather [hbm4b:s9+s3], $0x2E00, $0x38;
	[tilespmem:$0x1E000] =	vst v63  }
0x1a: {  	_ =	swait.ge [sflag:s13], $0x2E00  }
0x1b: {  	[sflag:s13] =	ssyncset.done $0x0  }
0x1c: {  	[sflag:s13] =	ssyncadd.s32 $0xFFFFD200  }
0x1d: {  	[bflag:$0x0] =	sbarrier.arrive $0xFFFF  }
0x1e: {  	[tilespmem:s15], [sflag:$0x1] =	stream.indirect.gather [hbm4b:s4+s14], $0x80, s3, s14, $0xb8;
	[tilespmem:$0x1E000] =	vst v63  }
0x1f: {  	p0 =	sne.s32 s5, $0x1;
	_ =	swait.ge [sflag:s16], $0x4000  }
.Ltmp0:
0x20: {  	[sflag:s16] =	ssyncset.done $0x0;
	(pc) =	sbr.rel @!p0 .LBB2_3-.Ltmp0, $4  }
0x21: {  	[sflag:s16] =	ssyncadd.s32 $0xFFFFC000  }
0x22: {  	[spmem:s2] =	stream.indirect.scatter.add.f32 [tilespmem:s15], [sflag:$0x2], $0x80, s18, s14, $0xb8;
	[tilespmem:$0x1E000] =	vst v63  }
0x23: {  	_ =	swait.ge [sflag:s13], $0x4000  }
0x24: {  	s19 =	sadd.s32 $0xFFFFFFFF, s5;
	s20 =	simm.s32 $0x0;
	[sflag:s13] =	ssyncset.done $0x0  }
.LBB2_2:
0x25: {  	[sflag:s13] =	ssyncadd.s32 $0xFFFFC000;
	s20 =	sadd.s32 $0x80, s20;
	s18 =	sadd.s32 $0x80, s18  }
0x26: {  	[tilespmem:s15], [sflag:$0x1] =	stream.indirect.gather [hbm4b:s4+s14], $0x80, s20, s14, $0xb8;
	[tilespmem:$0x1E000] =	vst v63  }
0x27: {  	p0 =	sne.s32 s19, $0x1;
	s19 =	sadd.s32 $0xFFFFFFFF, s19;
	_ =	swait.ge [sflag:s16], $0x4000  }
.Ltmp1:
0x28: {  	[sflag:s16] =	ssyncset.done $0x0;
	(pc) =	sbr.rel @p0 .LBB2_2-.Ltmp1, $4  }
0x29: {  	[sflag:s16] =	ssyncadd.s32 $0xFFFFC000  }
0x2a: {  	[spmem:s2] =	stream.indirect.scatter.add.f32 [tilespmem:s15], [sflag:$0x2], $0x80, s18, s14, $0xb8;
	[tilespmem:$0x1E000] =	vst v63  }
0x2b: {  	_ =	swait.ge [sflag:s13], $0x4000  }
0x2c: {  	[sflag:s13] =	ssyncset.done $0x0  }
.LBB2_3:
0x2d: {  	s17 =	sadd.s32 $0x1, s17  }
0x2e: {  	[sflag:s13] =	ssyncadd.s32 $0xFFFFC000;
	p0 =	sne.s32 s17, s11  }
.Ltmp2:
0x2f: {  	[bflag:$0x0] =	sbarrier.arrive $0xFFFF;
	(pc) =	sbr.rel @p0 .LBB2_1-.Ltmp2, $4  }
0x30: {  	[hbm:s10], [sflag:s7] =	dma.local [spmem:s12], $0x2800  }
0x31: {  	_ =	swait.ge [sflag:s13], $0x2800  }
0x32: {  	[sflag:s13] =	ssyncset.done $0x0  }
0x33: {  	[sflag:s13] =	ssyncadd.s32 $0xFFFFD800  }
0x34: {  	_ =	sfence.sel $0x180000  }
0x35: {  	[bflag:$0x0] =	sbarrier.arrive $0xFFFF  }
0x36: {  	p0 =	sne.s32 s0, $0x0;
	_ =	strace $0x9000004A  }
0x37: {  	s0 =	sadd.s32 @!p0 $0x100000, s1;
	[bflag:$0x2] =	sbarrier.arrive $0xFFFF  }
0x38: {  	[sflag:s0] =	ssyncadd.tile.s32 @!p0 $0x1;
	_ =	shalt  }
.Lfunc_end2:
_tile_overlayer_lowered:
.L_overlay_start_2:
0x39: {  	(tag) =	ssettag $0x2  }
0x3a: {  	s0 =	rddreg [dreg:$0x0];
	s2 =	stileid.u32  }
0x3b: {  	s1 =	rddreg [dreg:$0x1];
	p0 =	sne.s32 s2, $0x0  }
0x3c: {  	s3 =	rddreg [dreg:$0x2];
	[bflag:$0x3] =	sbarrier.arrive $0xFFFF;
	s2 =	simm.s32 @!p0 $0x1C02  }
0x3d: {  	[timem:s3], [sflag:s2] =	dma.local @!p0 [hbm:s0], s1  }
0x3e: {  	s0 =	simm.s32 @!p0 $0x2  }
0x3f: {  	_ =	swait.ge @!p0 [sflag:s0], s1  }
0x40: {  	s1 =	ssub.s32 @!p0 $0x0, s1;
	[sflag:s0] =	ssyncset.done @!p0 $0x0  }
0x41: {  	[sflag:s0] =	ssyncadd.s32 @!p0 s1  }
0x42: {  	[bflag:$0x3] =	sbarrier.arrive $0xFFFF  }
0x43: {  	_ =	shalt  }

// kernel: kernel.16.cloned.1.call-start
scs
__scs_entry_jumppad:
0x0: {  	(pc) =	sbr.rel $0x88, $3  }
0x1: {  	(tag) =	ssettag $0x0;
	lr =	simm.s32 $0x1  }
0x2: {  	[smem:$0x3F99] =	sst lr;
	_ =	strace $0xD0000000  }
0x3: {  	_ = 	snop  }
0x4: {  	_ = 	snop  }
0x5: {  	_ = 	snop  }
0x6: {  	_ = 	snop  }
0x7: {  	_ = 	snop  }
__scs_overlays_trampoline_lowered:
0x8: {  	[smem:$0x3FA8] =	sst s0  }
0x9: {  	[smem:$0x3FA9] =	sst s1  }
0xa: {  	[smem:$0x3FAA] =	sst s2  }
0xb: {  	[smem:$0x3FAB] =	sst s3  }
0xc: {  	[smem:$0x3FAC] =	sst s4  }
0xd: {  	[smem:$0x3FAD] =	sst s5  }
0xe: {  	[smem:$0x3FAE] =	sst s6  }
0xf: {  	[smem:$0x3FAF] =	sst s7  }
0x10: {  	[smem:$0x3FB0] =	sst s8  }
0x11: {  	[smem:$0x3FB1] =	sst s9;
	s0 =	simm.s32 @!p0 $0x0  }
0x12: {  	s1 =	sld [smem:$0x3F97];
	s0 =	simm.s32 @p0 $0x1  }
0x13: {  	[smem:$0x3FB2] =	sst s0;
	s0 =	simm.s32 @!p1 $0x0  }
0x14: {  	s2 =	sld [smem:$0x3F96];
	s0 =	simm.s32 @p1 $0x1  }
0x15: {  	[smem:$0x3FB3] =	sst s0;
	s0 =	simm.s32 @!p2 $0x0  }
0x16: {  	s3 =	sld [smem:$0x3FDB];
	s0 =	simm.s32 @p2 $0x1  }
0x17: {  	s4 =	simm.s32 $0x1BF5;
	[smem:$0x3FB5] =	sst s0  }
0x18: {  	s0 =	sld [smem:$0x3F98];
	_ =	swait.ge [sflag:s4], $0x0  }
0x19: {  	s7 =	sld [smem:$0x3F99]  }
0x1a: {  	s8 =	sadd.s32 $0xFFFFE003, lr  }
0x1b: {  	s9 =	sadd.s32 $0xFFFFFEF7, lr;
	s5 =	simm.s32 $0xFFFFFFFF;
	p2 =	slt.u32 s8, $0xFFFFF086  }
0x1c: {  	p1 =	slt.u32 s9, $0xF7A;
	s5 =	simm.s32 @!p2 $0x0  }
0x1d: {  	s5 =	simm.s32 @p1 $0x1;
	p0 =	seq.s32 s7, s2  }
0x1e: {  	s7 =	smul.u32 @!p0 $0xF7A, s2;
	p2 =	seq.s32 @!p0 s5, $0x0  }
0x1f: {  	s9 =	smul.u32 $0xF7A, s1;
	s8 =	simm.s32 @!p0 $0x1BF5;
	p2 =	por !p2, p0  }
0x20: {  	[sflag:s8] =	ssyncset.s32 @!p0 $0xFFFFF086;
	s6 =	sadd.s32 @!p0 s3, s7;
	s7 =	simm.s32 @!p0 $0x108  }
0x21: {  	s3 =	sadd.s32 s3, s9;
	s6 =	sadd.s32 @!p0 $0x88, s6;
	s7 =	simm.s32 @p2 $0x1082  }
0x22: {  	[simem:s7], [sflag:s8] =	dma.local @!p0 [hbm:s6], $0xF7A  }
0x23: {  	s9 =	sor.u32 $0xD0000000, s2;
	s6 =	simm.s32 $0x108;
	_ =	swait.ge @!p0 [sflag:s8], $0x0  }
0x24: {  	s3 =	sadd.s32 $0x88, s3;
	s6 =	simm.s32 @!p1 $0x1082;
	[sflag:s4] =	ssyncset.s32 $0xFFFFF086  }
0x25: {  	[simem:s6], [sflag:s4] =	dma.local [hbm:s3], $0xF7A  }
0x26: {  	[smem:$0x3F99] =	sst s1;
	(tag) =	ssettag s2;
	_ =	strace s9  }
0x27: {  	s1 =	sld [smem:$0x3FA9]  }
0x28: {  	s2 =	sld [smem:$0x3FAA]  }
0x29: {  	s4 =	sld [smem:$0x3FAC]  }
0x2a: {  	p0 =	seq.s32 s5, $0x0;
	s5 =	sld [smem:$0x3FAD]  }
0x2b: {  	s6 =	sld [smem:$0x3FAE]  }
0x2c: {  	s7 =	sld [smem:$0x3FAF]  }
0x2d: {  	s3 =	simm.s32 $0x108;
	s8 =	sld [smem:$0x3FB0]  }
0x2e: {  	s3 =	simm.s32 @!p0 $0x1082;
	s9 =	sld [smem:$0x3FB1]  }
0x2f: {  	lr =	sadd.s32 s0, s3;
	s0 =	sld [smem:$0x3FA8]  }
0x30: {  	s3 =	sld [smem:$0x3FAB]  }
0x31: {  	[smem:$0x3FB4] =	sst s10  }
0x32: {  	s10 =	sld [smem:$0x3FB2];
	_ =	sdelay $0x3  }
0x33: {  	p0 =	seq.s32 s10, $0x1;
	s10 =	sld [smem:$0x3FB4];
	_ =	sdelay $0x3  }
0x34: {  	[smem:$0x3FB4] =	sst s10  }
0x35: {  	s10 =	sld [smem:$0x3FB3];
	_ =	sdelay $0x3  }
0x36: {  	p1 =	seq.s32 s10, $0x1;
	s10 =	sld [smem:$0x3FB4];
	_ =	sdelay $0x3  }
0x37: {  	[smem:$0x3FB4] =	sst s10  }
0x38: {  	s10 =	sld [smem:$0x3FB5]  }
0x39: {  	_ = 	snop;
	(pc) =	sbr.ind lr, $3  }
0x3a: {  	_ = 	snop  }
0x3b: {  	_ = 	snop  }
0x3c: {  	p2 =	seq.s32 s10, $0x1;
	s10 =	sld [smem:$0x3FB4]  }
0x3d: {  	_ =	shalt  }
0x3e: {  	_ =	shalt  }
0x3f: {  	_ =	shalt  }
0x40: {  	_ =	shalt  }
0x41: {  	_ =	shalt  }
0x42: {  	_ =	shalt  }
0x43: {  	_ =	shalt  }
0x44: {  	_ =	shalt  }
0x45: {  	_ =	shalt  }
0x46: {  	_ =	shalt  }
0x47: {  	_ =	shalt  }
0x48: {  	_ =	shalt  }
0x49: {  	_ =	shalt  }
0x4a: {  	_ =	shalt  }
0x4b: {  	_ =	shalt  }
0x4c: {  	_ =	shalt  }
0x4d: {  	_ =	shalt  }
0x4e: {  	_ =	shalt  }
0x4f: {  	_ =	shalt  }
0x50: {  	_ =	shalt  }
0x51: {  	_ =	shalt  }
0x52: {  	_ =	shalt  }
0x53: {  	_ =	shalt  }
0x54: {  	_ =	shalt  }
0x55: {  	_ =	shalt  }
0x56: {  	_ =	shalt  }
0x57: {  	_ =	shalt  }
0x58: {  	_ =	shalt  }
0x59: {  	_ =	shalt  }
0x5a: {  	_ =	shalt  }
0x5b: {  	_ =	shalt  }
0x5c: {  	_ =	shalt  }
0x5d: {  	_ =	shalt  }
0x5e: {  	_ =	shalt  }
0x5f: {  	_ =	shalt  }
0x60: {  	_ =	shalt  }
0x61: {  	_ =	shalt  }
0x62: {  	_ =	shalt  }
0x63: {  	_ =	shalt  }
0x64: {  	_ =	shalt  }
0x65: {  	_ =	shalt  }
0x66: {  	_ =	shalt  }
0x67: {  	_ =	shalt  }
0x68: {  	_ =	shalt  }
0x69: {  	_ =	shalt  }
0x6a: {  	_ =	shalt  }
0x6b: {  	_ =	shalt  }
0x6c: {  	_ =	shalt  }
0x6d: {  	_ =	shalt  }
0x6e: {  	_ =	shalt  }
0x6f: {  	_ =	shalt  }
0x70: {  	_ =	shalt  }
0x71: {  	_ =	shalt  }
0x72: {  	_ =	shalt  }
0x73: {  	_ =	shalt  }
0x74: {  	_ =	shalt  }
0x75: {  	_ =	shalt  }
0x76: {  	_ =	shalt  }
0x77: {  	_ =	shalt  }
0x78: {  	_ =	shalt  }
0x79: {  	_ =	shalt  }
0x7a: {  	_ =	shalt  }
0x7b: {  	_ =	shalt  }
0x7c: {  	_ =	shalt  }
0x7d: {  	_ =	shalt  }
0x7e: {  	_ =	shalt  }
0x7f: {  	_ =	shalt  }
0x80: {  	_ =	shalt  }
0x81: {  	_ =	shalt  }
0x82: {  	_ =	shalt  }
0x83: {  	_ =	shalt  }
0x84: {  	_ =	shalt  }
0x85: {  	_ =	shalt  }
0x86: {  	_ =	shalt  }
0x87: {  	_ =	shalt  }
.Lfunc_end0:
.L_simem_size_0:
called_computation.2_lowered:
.L_overlay_start_0:
0x88: {  	s2 =	sld [smem:$0x3FD9]  }
0x89: {  	s3 =	sld [smem:$0x3FFE];
	_ =	sdelay $0x1  }
0x8a: {  	s1 =	srdreg.scid  }
0x8b: {  	s0 =	sand.u32 $0x1, s1  }
0x8c: {  	s17 =	sshll.u32 s0, $0xA;
	s2 =	sadd.s32 s3, s2  }
0x8d: {  	s2 =	sadd.s32 s2, s17  }
0x8e: {  	[smem:$0x3FC0] =	sst s2  }
0x8f: {  	_ = 	snop  }
0x90: {  	s2 =	sld [smem:$0x3FD0];
	(tm) =	ssettm $0x1  }
0x91: {  	s18 =	sld [smem:$0x3FFB];
	_ =	sdelay $0x3  }
0x92: {  	_ =	strace s18  }
0x93: {  	s3 =	sld [smem:$0x3FFC];
	_ =	sdelay $0x3  }
0x94: {  	_ =	strace s3  }
0x95: {  	s3 =	sld [smem:$0x3FFD];
	_ =	sdelay $0x3  }
0x96: {  	_ =	strace s3  }
0x97: {  	_ =	strace $0x8FFFFFFF  }
0x98: {  	s19 =	sld [smem:$0x3FDB];
	_ =	sdelay $0x1  }
0x99: {  	s4 =	simm.s32 $_scs_section_size  }
0x9a: {  	s5 =	simm.s32 $_size__tile_overlayer_lowered;
	s6 =	simm.s32 $_tile_overlayer_lowered  }
0x9b: {  	s22 =	simm.s32 $0x1BFF;
	s21 =	sshll.u32 s6, $0x1;
	s3 =	sadd.s32 s4, s19  }
0x9c: {  	s7 =	simm.s32 $0x0;
	s20 =	sshll.u32 s5, $0x1;
	s5 =	sadd.s32 s21, s3  }
0x9d: {  	[timem:s7], [sflag:s22] =	dma.local [hbm:s5], s20  }
0x9e: {  	_ =	swait.ge [sflag:s22], s20  }
0x9f: {  	s4 =	ssub.s32 $0x0, s20;
	[sflag:s22] =	ssyncset.done $0x0  }
0xa0: {  	[sflag:s22] =	ssyncadd.s32 s4;
	_ =	sdelay $0x1  }
0xa1: {  	s23 =	simm.s32 $0x1B8B  }
0xa2: {  	_ =	swait.ge [sflag:s23], $0x1  }
0xa3: {  	[sflag:s23] =	ssyncset.done $0x0  }
0xa4: {  	s25 =	simm.s32 $0x1B8E;
	s24 =	sld [smem:$0x3FFE];
	[sflag:s23] =	ssyncadd.s32 $0xFFFFFFFF  }
0xa5: {  	s26 =	simm.s32 $execute0_lowered;
	[smem:$0x3FD2] =	sst s25  }
0xa6: {  	s5 =	sshll.u32 s26, $0x1;
	_ =	strace $0x8000004C;
	[dreg:$0x1] =	wrdreg $0xFFFFFFFF  }
0xa7: {  	s28 =	simm.s32 $_size_execute0_lowered;
	s3 =	sadd.s32 s3, s5;
	[dreg:$0x0] =	wrdreg $0x0  }
0xa8: {  	s5 =	sshll.u32 s28, $0x1;
	[dreg:$0x2] =	wrdreg s3  }
0xa9: {  	[dreg:$0x3] =	wrdreg s5  }
0xaa: {  	[dreg:$0x4] =	wrdreg $0xC0  }
0xab: {  	_ =	task [dreg:s7], $0x5FFFF  }
0xac: {  	[dreg:$0x1] =	wrdreg $0xFFFFFFFF  }
0xad: {  	[dreg:$0x0] =	wrdreg $0x60  }
0xae: {  	[dreg:$0x2] =	wrdreg s24  }
0xaf: {  	[dreg:$0x3] =	wrdreg s2  }
0xb0: {  	[dreg:$0x4] =	wrdreg $0xA0000  }
0xb1: {  	[dreg:$0x5] =	wrdreg $0x9  }
0xb2: {  	_ =	task.clear_ibuf [dreg:s7], $0x6FFFF;
	_ =	strace $0x9000004C  }
0xb3: {  	s29 =	simm.s32 $0x9;
	_ =	strace $0x8000004E  }
0xb4: {  	_ =	swait.ge [sflag:s29], $0x1  }
0xb5: {  	[sflag:s29] =	ssyncadd.s32 $0xFFFFFFFF  }
0xb6: {  	_ =	strace $0x9000004E  }
0xb7: {  	_ =	sfence  }
0xb8: {  	s30 =	sld [smem:$0x0];
	_ =	sdelay $0x2  }
0xb9: {  	s31 =	sshll.u32 s1, $0xD;
	s1 =	sshrl.u32 s1, $0x2  }
0xba: {  	s3 =	sand.u32 $0x4000, s31;
	s1 =	sadd.s32 s1, s30  }
0xbb: {  	s0 =	sor.u32 s3, s0;
	s1 =	sshll.u32 s1, $0x11  }
0xbc: {  	s0 =	sor.u32 s1, s0  }
0xbd: {  	s0 =	sadd.s32 $0x8F2B, s0  }
0xbe: {  	[sflag:s0] =	ssyncadd.remote.s32 $0x1  }
0xbf: {  	_ =	sfence.sel $0xFFFF  }
0xc0: {  	[dreg:$0x0] =	wrdreg $0xFFFFFFFF;
	(pc) =	sbr.abs _section_cstart, $3  }
0xc1: {  	[dreg:$0x1] =	wrdreg $0xFFFFFFFF  }
0xc2: {  	_ =	task.clear_ibuf [dreg:s7], $0x2FFFF;
	_ =	strace $0x9FFFFFFF  }
0xc3: {  	(tm) =	ssettm $0x7FFFFFFF  }
tec
execute0_lowered:
.L_overlay_start_1:
0x0: {  	(tag) =	ssettag $0x1  }
0x1: {  	s6 =	rddreg [dreg:$0x0]  }
0x2: {  	s8 =	rddreg [dreg:$0x1]  }
0x3: {  	s0 =	srdreg.scid;
	s2 =	rddreg [dreg:$0x2];
	s3 =	simm.s32 $0x0  }
0x4: {  	s16 =	simm.s32 $0x1;
	s5 =	sand.u32 $0x1, s0;
	s0 =	stileid.u32  }
0x5: {  	s17 =	simm.s32 $0x0;
	[smem:$0x7FF] =	sst s3;
	s7 =	smul.u32 $0x14000, s0  }
0x6: {  	s4 =	sadd.s32 $0x34000, s6;
	s1 =	sshll.u32 s5, $0x4;
	s10 =	smul.u32 $0x140000, s5  }
0x7: {  	s29 =	ssub.s32 $0x2, s5;
	s14 =	smul.u32 $0x50000, s0;
	p0 =	seq.s32 s5, $0x0  }
0x8: {  	s5 =	simm.s32 $0x5C;
	s31 =	sshll.u32 s0, $0x6;
	s1 =	sor.u32 s0, s1  }
0x9: {  	s13 =	sshrl.u32 s29, $0x1;
	s5 =	simm.s32 @!p0 $0x41;
	s9 =	smul.u32 $0x600, s1  }
0xa: {  	s1 =	rddreg [dreg:$0x3];
	_ =	strace $0x8000004D;
	s12 =	sshrl.u32 s7, $0x3  }
0xb: {  	s7 =	sadd.s32 s7, s10;
	s13 =	ssub.s32 s29, s13;
	s30 =	sshrl.u32 s14, $0x2  }
0xc: {  	s7 =	sshrl.u32 s7, $0x3;
	s12 =	sadd.s32 s12, s6;
	s14 =	sadd.s32 s30, s2  }
0xd: {  	s11 =	sadd.s32 s9, s6;
	s15 =	sadd.s32 s7, s6;
	s6 =	sadd.s32 $0xC000, s12  }
0xe: {  	s7 =	sor.u32 $0x1C02, s31;
	s8 =	sadd.s32 s8, s9;
	s12 =	sshrl.u32 s14, $0x3  }
0xf: {  	s14 =	simm.s32 $0x80;
	s9 =	sadd.s32 $0x84800, s11;
	s10 =	sadd.s32 $0x90800, s15  }
0x10: {  	s11 =	smax.u32 s13, $0x1;
	s13 =	simm.s32 $0x2;
	s15 =	simm.s32 $0x6000  }
.LBB2_1:
0x11: {  	[spmem:s12], [sflag:s7] =	dma.local [hbm:s6], $0x2800  }
0x12: {  	_ =	swait.ge [sflag:s13], $0x2800  }
0x13: {  	[sflag:s13] =	ssyncset.done $0x0  }
0x14: {  	[sflag:s13] =	ssyncadd.s32 $0xFFFFD800  }
0x15: {  	[tilespmem:s3], [sflag:$0x2] =	stream.linear.gather [hbm4b:s8+s3], $0x2E00, $0x38;
	[tilespmem:$0x1E000] =	vst v63  }
0x16: {  	_ =	swait.ge [sflag:s13], $0x2E00  }
0x17: {  	[sflag:s13] =	ssyncset.done $0x0  }
0x18: {  	s18 =	simm.s32 $0x3000;
	[sflag:s13] =	ssyncadd.s32 $0xFFFFD200  }
0x19: {  	[tilespmem:s18], [sflag:$0x2] =	stream.linear.gather [hbm4b:s9+s3], $0x2E00, $0x38;
	[tilespmem:$0x1E000] =	vst v63  }
0x1a: {  	_ =	swait.ge [sflag:s13], $0x2E00  }
0x1b: {  	[sflag:s13] =	ssyncset.done $0x0  }
0x1c: {  	[sflag:s13] =	ssyncadd.s32 $0xFFFFD200  }
0x1d: {  	[bflag:$0x0] =	sbarrier.arrive $0xFFFF  }
0x1e: {  	[tilespmem:s15], [sflag:$0x1] =	stream.indirect.gather [hbm4b:s4+s14], $0x80, s3, s14, $0xb8;
	[tilespmem:$0x1E000] =	vst v63  }
0x1f: {  	p0 =	sne.s32 s5, $0x1;
	_ =	swait.ge [sflag:s16], $0x4000  }
.Ltmp0:
0x20: {  	[sflag:s16] =	ssyncset.done $0x0;
	(pc) =	sbr.rel @!p0 .LBB2_3-.Ltmp0, $4  }
0x21: {  	[sflag:s16] =	ssyncadd.s32 $0xFFFFC000  }
0x22: {  	[spmem:s2] =	stream.indirect.scatter.add.f32 [tilespmem:s15], [sflag:$0x2], $0x80, s18, s14, $0xb8;
	[tilespmem:$0x1E000] =	vst v63  }
0x23: {  	_ =	swait.ge [sflag:s13], $0x4000  }
0x24: {  	s19 =	sadd.s32 $0xFFFFFFFF, s5;
	s20 =	simm.s32 $0x0;
	[sflag:s13] =	ssyncset.done $0x0  }
.LBB2_2:
0x25: {  	[sflag:s13] =	ssyncadd.s32 $0xFFFFC000;
	s20 =	sadd.s32 $0x80, s20;
	s18 =	sadd.s32 $0x80, s18  }
0x26: {  	[tilespmem:s15], [sflag:$0x1] =	stream.indirect.gather [hbm4b:s4+s14], $0x80, s20, s14, $0xb8;
	[tilespmem:$0x1E000] =	vst v63  }
0x27: {  	p0 =	sne.s32 s19, $0x1;
	s19 =	sadd.s32 $0xFFFFFFFF, s19;
	_ =	swait.ge [sflag:s16], $0x4000  }
.Ltmp1:
0x28: {  	[sflag:s16] =	ssyncset.done $0x0;
	(pc) =	sbr.rel @p0 .LBB2_2-.Ltmp1, $4  }
0x29: {  	[sflag:s16] =	ssyncadd.s32 $0xFFFFC000  }
0x2a: {  	[spmem:s2] =	stream.indirect.scatter.add.f32 [tilespmem:s15], [sflag:$0x2], $0x80, s18, s14, $0xb8;
	[tilespmem:$0x1E000] =	vst v63  }
0x2b: {  	_ =	swait.ge [sflag:s13], $0x4000  }
0x2c: {  	[sflag:s13] =	ssyncset.done $0x0  }
.LBB2_3:
0x2d: {  	s17 =	sadd.s32 $0x1, s17  }
0x2e: {  	[sflag:s13] =	ssyncadd.s32 $0xFFFFC000;
	p0 =	sne.s32 s17, s11  }
.Ltmp2:
0x2f: {  	[bflag:$0x0] =	sbarrier.arrive $0xFFFF;
	(pc) =	sbr.rel @p0 .LBB2_1-.Ltmp2, $4  }
0x30: {  	[hbm:s10], [sflag:s7] =	dma.local [spmem:s12], $0x2800  }
0x31: {  	_ =	swait.ge [sflag:s13], $0x2800  }
0x32: {  	[sflag:s13] =	ssyncset.done $0x0  }
0x33: {  	[sflag:s13] =	ssyncadd.s32 $0xFFFFD800  }
0x34: {  	_ =	sfence.sel $0x180000  }
0x35: {  	[bflag:$0x0] =	sbarrier.arrive $0xFFFF  }
0x36: {  	p0 =	sne.s32 s0, $0x0;
	_ =	strace $0x9000004D  }
0x37: {  	s0 =	sadd.s32 @!p0 $0x100000, s1;
	[bflag:$0x2] =	sbarrier.arrive $0xFFFF  }
0x38: {  	[sflag:s0] =	ssyncadd.tile.s32 @!p0 $0x1;
	_ =	shalt  }
.Lfunc_end2:
_tile_overlayer_lowered:
.L_overlay_start_2:
0x39: {  	(tag) =	ssettag $0x2  }
0x3a: {  	s0 =	rddreg [dreg:$0x0];
	s2 =	stileid.u32  }
0x3b: {  	s1 =	rddreg [dreg:$0x1];
	p0 =	sne.s32 s2, $0x0  }
0x3c: {  	s3 =	rddreg [dreg:$0x2];
	[bflag:$0x3] =	sbarrier.arrive $0xFFFF;
	s2 =	simm.s32 @!p0 $0x1C02  }
0x3d: {  	[timem:s3], [sflag:s2] =	dma.local @!p0 [hbm:s0], s1  }
0x3e: {  	s0 =	simm.s32 @!p0 $0x2  }
0x3f: {  	_ =	swait.ge @!p0 [sflag:s0], s1  }
0x40: {  	s1 =	ssub.s32 @!p0 $0x0, s1;
	[sflag:s0] =	ssyncset.done @!p0 $0x0  }
0x41: {  	[sflag:s0] =	ssyncadd.s32 @!p0 s1  }
0x42: {  	[bflag:$0x3] =	sbarrier.arrive $0xFFFF  }
0x43: {  	_ =	shalt  }

// kernel: kernel.19.cloned.1.call-start
scs
__scs_entry_jumppad:
0x0: {  	(pc) =	sbr.rel $0x88, $3  }
0x1: {  	(tag) =	ssettag $0x0;
	lr =	simm.s32 $0x1  }
0x2: {  	[smem:$0x3F99] =	sst lr;
	_ =	strace $0xD0000000  }
0x3: {  	_ = 	snop  }
0x4: {  	_ = 	snop  }
0x5: {  	_ = 	snop  }
0x6: {  	_ = 	snop  }
0x7: {  	_ = 	snop  }
__scs_overlays_trampoline_lowered:
0x8: {  	[smem:$0x3FA8] =	sst s0  }
0x9: {  	[smem:$0x3FA9] =	sst s1  }
0xa: {  	[smem:$0x3FAA] =	sst s2  }
0xb: {  	[smem:$0x3FAB] =	sst s3  }
0xc: {  	[smem:$0x3FAC] =	sst s4  }
0xd: {  	[smem:$0x3FAD] =	sst s5  }
0xe: {  	[smem:$0x3FAE] =	sst s6  }
0xf: {  	[smem:$0x3FAF] =	sst s7  }
0x10: {  	[smem:$0x3FB0] =	sst s8  }
0x11: {  	[smem:$0x3FB1] =	sst s9;
	s0 =	simm.s32 @!p0 $0x0  }
0x12: {  	s1 =	sld [smem:$0x3F97];
	s0 =	simm.s32 @p0 $0x1  }
0x13: {  	[smem:$0x3FB2] =	sst s0;
	s0 =	simm.s32 @!p1 $0x0  }
0x14: {  	s2 =	sld [smem:$0x3F96];
	s0 =	simm.s32 @p1 $0x1  }
0x15: {  	[smem:$0x3FB3] =	sst s0;
	s0 =	simm.s32 @!p2 $0x0  }
0x16: {  	s3 =	sld [smem:$0x3FDB];
	s0 =	simm.s32 @p2 $0x1  }
0x17: {  	s4 =	simm.s32 $0x1BF5;
	[smem:$0x3FB5] =	sst s0  }
0x18: {  	s0 =	sld [smem:$0x3F98];
	_ =	swait.ge [sflag:s4], $0x0  }
0x19: {  	s7 =	sld [smem:$0x3F99]  }
0x1a: {  	s8 =	sadd.s32 $0xFFFFE003, lr  }
0x1b: {  	s9 =	sadd.s32 $0xFFFFFEF7, lr;
	s5 =	simm.s32 $0xFFFFFFFF;
	p2 =	slt.u32 s8, $0xFFFFF086  }
0x1c: {  	p1 =	slt.u32 s9, $0xF7A;
	s5 =	simm.s32 @!p2 $0x0  }
0x1d: {  	s5 =	simm.s32 @p1 $0x1;
	p0 =	seq.s32 s7, s2  }
0x1e: {  	s7 =	smul.u32 @!p0 $0xF7A, s2;
	p2 =	seq.s32 @!p0 s5, $0x0  }
0x1f: {  	s9 =	smul.u32 $0xF7A, s1;
	s8 =	simm.s32 @!p0 $0x1BF5;
	p2 =	por !p2, p0  }
0x20: {  	[sflag:s8] =	ssyncset.s32 @!p0 $0xFFFFF086;
	s6 =	sadd.s32 @!p0 s3, s7;
	s7 =	simm.s32 @!p0 $0x108  }
0x21: {  	s3 =	sadd.s32 s3, s9;
	s6 =	sadd.s32 @!p0 $0x88, s6;
	s7 =	simm.s32 @p2 $0x1082  }
0x22: {  	[simem:s7], [sflag:s8] =	dma.local @!p0 [hbm:s6], $0xF7A  }
0x23: {  	s9 =	sor.u32 $0xD0000000, s2;
	s6 =	simm.s32 $0x108;
	_ =	swait.ge @!p0 [sflag:s8], $0x0  }
0x24: {  	s3 =	sadd.s32 $0x88, s3;
	s6 =	simm.s32 @!p1 $0x1082;
	[sflag:s4] =	ssyncset.s32 $0xFFFFF086  }
0x25: {  	[simem:s6], [sflag:s4] =	dma.local [hbm:s3], $0xF7A  }
0x26: {  	[smem:$0x3F99] =	sst s1;
	(tag) =	ssettag s2;
	_ =	strace s9  }
0x27: {  	s1 =	sld [smem:$0x3FA9]  }
0x28: {  	s2 =	sld [smem:$0x3FAA]  }
0x29: {  	s4 =	sld [smem:$0x3FAC]  }
0x2a: {  	p0 =	seq.s32 s5, $0x0;
	s5 =	sld [smem:$0x3FAD]  }
0x2b: {  	s6 =	sld [smem:$0x3FAE]  }
0x2c: {  	s7 =	sld [smem:$0x3FAF]  }
0x2d: {  	s3 =	simm.s32 $0x108;
	s8 =	sld [smem:$0x3FB0]  }
0x2e: {  	s3 =	simm.s32 @!p0 $0x1082;
	s9 =	sld [smem:$0x3FB1]  }
0x2f: {  	lr =	sadd.s32 s0, s3;
	s0 =	sld [smem:$0x3FA8]  }
0x30: {  	s3 =	sld [smem:$0x3FAB]  }
0x31: {  	[smem:$0x3FB4] =	sst s10  }
0x32: {  	s10 =	sld [smem:$0x3FB2];
	_ =	sdelay $0x3  }
0x33: {  	p0 =	seq.s32 s10, $0x1;
	s10 =	sld [smem:$0x3FB4];
	_ =	sdelay $0x3  }
0x34: {  	[smem:$0x3FB4] =	sst s10  }
0x35: {  	s10 =	sld [smem:$0x3FB3];
	_ =	sdelay $0x3  }
0x36: {  	p1 =	seq.s32 s10, $0x1;
	s10 =	sld [smem:$0x3FB4];
	_ =	sdelay $0x3  }
0x37: {  	[smem:$0x3FB4] =	sst s10  }
0x38: {  	s10 =	sld [smem:$0x3FB5]  }
0x39: {  	_ = 	snop;
	(pc) =	sbr.ind lr, $3  }
0x3a: {  	_ = 	snop  }
0x3b: {  	_ = 	snop  }
0x3c: {  	p2 =	seq.s32 s10, $0x1;
	s10 =	sld [smem:$0x3FB4]  }
0x3d: {  	_ =	shalt  }
0x3e: {  	_ =	shalt  }
0x3f: {  	_ =	shalt  }
0x40: {  	_ =	shalt  }
0x41: {  	_ =	shalt  }
0x42: {  	_ =	shalt  }
0x43: {  	_ =	shalt  }
0x44: {  	_ =	shalt  }
0x45: {  	_ =	shalt  }
0x46: {  	_ =	shalt  }
0x47: {  	_ =	shalt  }
0x48: {  	_ =	shalt  }
0x49: {  	_ =	shalt  }
0x4a: {  	_ =	shalt  }
0x4b: {  	_ =	shalt  }
0x4c: {  	_ =	shalt  }
0x4d: {  	_ =	shalt  }
0x4e: {  	_ =	shalt  }
0x4f: {  	_ =	shalt  }
0x50: {  	_ =	shalt  }
0x51: {  	_ =	shalt  }
0x52: {  	_ =	shalt  }
0x53: {  	_ =	shalt  }
0x54: {  	_ =	shalt  }
0x55: {  	_ =	shalt  }
0x56: {  	_ =	shalt  }
0x57: {  	_ =	shalt  }
0x58: {  	_ =	shalt  }
0x59: {  	_ =	shalt  }
0x5a: {  	_ =	shalt  }
0x5b: {  	_ =	shalt  }
0x5c: {  	_ =	shalt  }
0x5d: {  	_ =	shalt  }
0x5e: {  	_ =	shalt  }
0x5f: {  	_ =	shalt  }
0x60: {  	_ =	shalt  }
0x61: {  	_ =	shalt  }
0x62: {  	_ =	shalt  }
0x63: {  	_ =	shalt  }
0x64: {  	_ =	shalt  }
0x65: {  	_ =	shalt  }
0x66: {  	_ =	shalt  }
0x67: {  	_ =	shalt  }
0x68: {  	_ =	shalt  }
0x69: {  	_ =	shalt  }
0x6a: {  	_ =	shalt  }
0x6b: {  	_ =	shalt  }
0x6c: {  	_ =	shalt  }
0x6d: {  	_ =	shalt  }
0x6e: {  	_ =	shalt  }
0x6f: {  	_ =	shalt  }
0x70: {  	_ =	shalt  }
0x71: {  	_ =	shalt  }
0x72: {  	_ =	shalt  }
0x73: {  	_ =	shalt  }
0x74: {  	_ =	shalt  }
0x75: {  	_ =	shalt  }
0x76: {  	_ =	shalt  }
0x77: {  	_ =	shalt  }
0x78: {  	_ =	shalt  }
0x79: {  	_ =	shalt  }
0x7a: {  	_ =	shalt  }
0x7b: {  	_ =	shalt  }
0x7c: {  	_ =	shalt  }
0x7d: {  	_ =	shalt  }
0x7e: {  	_ =	shalt  }
0x7f: {  	_ =	shalt  }
0x80: {  	_ =	shalt  }
0x81: {  	_ =	shalt  }
0x82: {  	_ =	shalt  }
0x83: {  	_ =	shalt  }
0x84: {  	_ =	shalt  }
0x85: {  	_ =	shalt  }
0x86: {  	_ =	shalt  }
0x87: {  	_ =	shalt  }
.Lfunc_end0:
.L_simem_size_0:
called_computation.3_lowered:
.L_overlay_start_0:
0x88: {  	s2 =	sld [smem:$0x3FD9]  }
0x89: {  	s3 =	sld [smem:$0x3FFE];
	_ =	sdelay $0x1  }
0x8a: {  	s1 =	srdreg.scid  }
0x8b: {  	s0 =	sand.u32 $0x1, s1  }
0x8c: {  	s17 =	sshll.u32 s0, $0xA;
	s2 =	sadd.s32 s3, s2  }
0x8d: {  	s2 =	sadd.s32 s2, s17  }
0x8e: {  	[smem:$0x3FC0] =	sst s2  }
0x8f: {  	_ = 	snop  }
0x90: {  	s2 =	sld [smem:$0x3FD0];
	(tm) =	ssettm $0x1  }
0x91: {  	s18 =	sld [smem:$0x3FFB];
	_ =	sdelay $0x3  }
0x92: {  	_ =	strace s18  }
0x93: {  	s3 =	sld [smem:$0x3FFC];
	_ =	sdelay $0x3  }
0x94: {  	_ =	strace s3  }
0x95: {  	s3 =	sld [smem:$0x3FFD];
	_ =	sdelay $0x3  }
0x96: {  	_ =	strace s3  }
0x97: {  	_ =	strace $0x8FFFFFFF  }
0x98: {  	s19 =	sld [smem:$0x3FDB];
	_ =	sdelay $0x1  }
0x99: {  	s4 =	simm.s32 $_scs_section_size  }
0x9a: {  	s5 =	simm.s32 $_size__tile_overlayer_lowered;
	s6 =	simm.s32 $_tile_overlayer_lowered  }
0x9b: {  	s22 =	simm.s32 $0x1BFF;
	s21 =	sshll.u32 s6, $0x1;
	s3 =	sadd.s32 s4, s19  }
0x9c: {  	s7 =	simm.s32 $0x0;
	s20 =	sshll.u32 s5, $0x1;
	s5 =	sadd.s32 s21, s3  }
0x9d: {  	[timem:s7], [sflag:s22] =	dma.local [hbm:s5], s20  }
0x9e: {  	_ =	swait.ge [sflag:s22], s20  }
0x9f: {  	s4 =	ssub.s32 $0x0, s20;
	[sflag:s22] =	ssyncset.done $0x0  }
0xa0: {  	[sflag:s22] =	ssyncadd.s32 s4;
	_ =	sdelay $0x1  }
0xa1: {  	s23 =	simm.s32 $0x1B8B  }
0xa2: {  	_ =	swait.ge [sflag:s23], $0x1  }
0xa3: {  	[sflag:s23] =	ssyncset.done $0x0  }
0xa4: {  	s25 =	simm.s32 $0x1B8E;
	s24 =	sld [smem:$0x3FFE];
	[sflag:s23] =	ssyncadd.s32 $0xFFFFFFFF  }
0xa5: {  	s26 =	simm.s32 $execute0_lowered;
	[smem:$0x3FD2] =	sst s25  }
0xa6: {  	s5 =	sshll.u32 s26, $0x1;
	_ =	strace $0x8000004F;
	[dreg:$0x1] =	wrdreg $0xFFFFFFFF  }
0xa7: {  	s28 =	simm.s32 $_size_execute0_lowered;
	s3 =	sadd.s32 s3, s5;
	[dreg:$0x0] =	wrdreg $0x0  }
0xa8: {  	s5 =	sshll.u32 s28, $0x1;
	[dreg:$0x2] =	wrdreg s3  }
0xa9: {  	[dreg:$0x3] =	wrdreg s5  }
0xaa: {  	[dreg:$0x4] =	wrdreg $0xC0  }
0xab: {  	_ =	task [dreg:s7], $0x5FFFF  }
0xac: {  	[dreg:$0x1] =	wrdreg $0xFFFFFFFF  }
0xad: {  	[dreg:$0x0] =	wrdreg $0x60  }
0xae: {  	[dreg:$0x2] =	wrdreg s24  }
0xaf: {  	[dreg:$0x3] =	wrdreg s2  }
0xb0: {  	[dreg:$0x4] =	wrdreg $0xA0000  }
0xb1: {  	[dreg:$0x5] =	wrdreg $0x9  }
0xb2: {  	_ =	task.clear_ibuf [dreg:s7], $0x6FFFF;
	_ =	strace $0x9000004F  }
0xb3: {  	s29 =	simm.s32 $0x9;
	_ =	strace $0x80000051  }
0xb4: {  	_ =	swait.ge [sflag:s29], $0x1  }
0xb5: {  	[sflag:s29] =	ssyncadd.s32 $0xFFFFFFFF  }
0xb6: {  	_ =	strace $0x90000051  }
0xb7: {  	_ =	sfence  }
0xb8: {  	s30 =	sld [smem:$0x0];
	_ =	sdelay $0x2  }
0xb9: {  	s31 =	sshll.u32 s1, $0xD;
	s1 =	sshrl.u32 s1, $0x2  }
0xba: {  	s3 =	sand.u32 $0x4000, s31;
	s1 =	sadd.s32 s1, s30  }
0xbb: {  	s0 =	sor.u32 s3, s0;
	s1 =	sshll.u32 s1, $0x11  }
0xbc: {  	s0 =	sor.u32 s1, s0  }
0xbd: {  	s0 =	sadd.s32 $0x8F2B, s0  }
0xbe: {  	[sflag:s0] =	ssyncadd.remote.s32 $0x1  }
0xbf: {  	_ =	sfence.sel $0xFFFF  }
0xc0: {  	[dreg:$0x0] =	wrdreg $0xFFFFFFFF;
	(pc) =	sbr.abs _section_cstart, $3  }
0xc1: {  	[dreg:$0x1] =	wrdreg $0xFFFFFFFF  }
0xc2: {  	_ =	task.clear_ibuf [dreg:s7], $0x2FFFF;
	_ =	strace $0x9FFFFFFF  }
0xc3: {  	(tm) =	ssettm $0x7FFFFFFF  }
tec
execute0_lowered:
.L_overlay_start_1:
0x0: {  	(tag) =	ssettag $0x1  }
0x1: {  	s6 =	rddreg [dreg:$0x0]  }
0x2: {  	s8 =	rddreg [dreg:$0x1]  }
0x3: {  	s0 =	srdreg.scid;
	s2 =	rddreg [dreg:$0x2];
	s3 =	simm.s32 $0x0  }
0x4: {  	s16 =	simm.s32 $0x1;
	s5 =	sand.u32 $0x1, s0;
	s0 =	stileid.u32  }
0x5: {  	s17 =	simm.s32 $0x0;
	[smem:$0x7FF] =	sst s3;
	s7 =	smul.u32 $0x14000, s0  }
0x6: {  	s4 =	sadd.s32 $0x34000, s6;
	s1 =	sshll.u32 s5, $0x4;
	s10 =	smul.u32 $0x140000, s5  }
0x7: {  	s29 =	ssub.s32 $0x2, s5;
	s14 =	smul.u32 $0x50000, s0;
	p0 =	seq.s32 s5, $0x0  }
0x8: {  	s5 =	simm.s32 $0x5C;
	s31 =	sshll.u32 s0, $0x6;
	s1 =	sor.u32 s0, s1  }
0x9: {  	s13 =	sshrl.u32 s29, $0x1;
	s5 =	simm.s32 @!p0 $0x41;
	s9 =	smul.u32 $0x600, s1  }
0xa: {  	s1 =	rddreg [dreg:$0x3];
	_ =	strace $0x80000050;
	s12 =	sshrl.u32 s7, $0x3  }
0xb: {  	s7 =	sadd.s32 s7, s10;
	s13 =	ssub.s32 s29, s13;
	s30 =	sshrl.u32 s14, $0x2  }
0xc: {  	s7 =	sshrl.u32 s7, $0x3;
	s12 =	sadd.s32 s12, s6;
	s14 =	sadd.s32 s30, s2  }
0xd: {  	s11 =	sadd.s32 s9, s6;
	s15 =	sadd.s32 s7, s6;
	s6 =	sadd.s32 $0xC000, s12  }
0xe: {  	s7 =	sor.u32 $0x1C02, s31;
	s8 =	sadd.s32 s8, s9;
	s12 =	sshrl.u32 s14, $0x3  }
0xf: {  	s14 =	simm.s32 $0x80;
	s9 =	sadd.s32 $0x84800, s11;
	s10 =	sadd.s32 $0x90800, s15  }
0x10: {  	s11 =	smax.u32 s13, $0x1;
	s13 =	simm.s32 $0x2;
	s15 =	simm.s32 $0x6000  }
.LBB2_1:
0x11: {  	[spmem:s12], [sflag:s7] =	dma.local [hbm:s6], $0x2800  }
0x12: {  	_ =	swait.ge [sflag:s13], $0x2800  }
0x13: {  	[sflag:s13] =	ssyncset.done $0x0  }
0x14: {  	[sflag:s13] =	ssyncadd.s32 $0xFFFFD800  }
0x15: {  	[tilespmem:s3], [sflag:$0x2] =	stream.linear.gather [hbm4b:s8+s3], $0x2E00, $0x38;
	[tilespmem:$0x1E000] =	vst v63  }
0x16: {  	_ =	swait.ge [sflag:s13], $0x2E00  }
0x17: {  	[sflag:s13] =	ssyncset.done $0x0  }
0x18: {  	s18 =	simm.s32 $0x3000;
	[sflag:s13] =	ssyncadd.s32 $0xFFFFD200  }
0x19: {  	[tilespmem:s18], [sflag:$0x2] =	stream.linear.gather [hbm4b:s9+s3], $0x2E00, $0x38;
	[tilespmem:$0x1E000] =	vst v63  }
0x1a: {  	_ =	swait.ge [sflag:s13], $0x2E00  }
0x1b: {  	[sflag:s13] =	ssyncset.done $0x0  }
0x1c: {  	[sflag:s13] =	ssyncadd.s32 $0xFFFFD200  }
0x1d: {  	[bflag:$0x0] =	sbarrier.arrive $0xFFFF  }
0x1e: {  	[tilespmem:s15], [sflag:$0x1] =	stream.indirect.gather [hbm4b:s4+s14], $0x80, s3, s14, $0xb8;
	[tilespmem:$0x1E000] =	vst v63  }
0x1f: {  	p0 =	sne.s32 s5, $0x1;
	_ =	swait.ge [sflag:s16], $0x4000  }
.Ltmp0:
0x20: {  	[sflag:s16] =	ssyncset.done $0x0;
	(pc) =	sbr.rel @!p0 .LBB2_3-.Ltmp0, $4  }
0x21: {  	[sflag:s16] =	ssyncadd.s32 $0xFFFFC000  }
0x22: {  	[spmem:s2] =	stream.indirect.scatter.add.f32 [tilespmem:s15], [sflag:$0x2], $0x80, s18, s14, $0xb8;
	[tilespmem:$0x1E000] =	vst v63  }
0x23: {  	_ =	swait.ge [sflag:s13], $0x4000  }
0x24: {  	s19 =	sadd.s32 $0xFFFFFFFF, s5;
	s20 =	simm.s32 $0x0;
	[sflag:s13] =	ssyncset.done $0x0  }
.LBB2_2:
0x25: {  	[sflag:s13] =	ssyncadd.s32 $0xFFFFC000;
	s20 =	sadd.s32 $0x80, s20;
	s18 =	sadd.s32 $0x80, s18  }
0x26: {  	[tilespmem:s15], [sflag:$0x1] =	stream.indirect.gather [hbm4b:s4+s14], $0x80, s20, s14, $0xb8;
	[tilespmem:$0x1E000] =	vst v63  }
0x27: {  	p0 =	sne.s32 s19, $0x1;
	s19 =	sadd.s32 $0xFFFFFFFF, s19;
	_ =	swait.ge [sflag:s16], $0x4000  }
.Ltmp1:
0x28: {  	[sflag:s16] =	ssyncset.done $0x0;
	(pc) =	sbr.rel @p0 .LBB2_2-.Ltmp1, $4  }
0x29: {  	[sflag:s16] =	ssyncadd.s32 $0xFFFFC000  }
0x2a: {  	[spmem:s2] =	stream.indirect.scatter.add.f32 [tilespmem:s15], [sflag:$0x2], $0x80, s18, s14, $0xb8;
	[tilespmem:$0x1E000] =	vst v63  }
0x2b: {  	_ =	swait.ge [sflag:s13], $0x4000  }
0x2c: {  	[sflag:s13] =	ssyncset.done $0x0  }
.LBB2_3:
0x2d: {  	s17 =	sadd.s32 $0x1, s17  }
0x2e: {  	[sflag:s13] =	ssyncadd.s32 $0xFFFFC000;
	p0 =	sne.s32 s17, s11  }
.Ltmp2:
0x2f: {  	[bflag:$0x0] =	sbarrier.arrive $0xFFFF;
	(pc) =	sbr.rel @p0 .LBB2_1-.Ltmp2, $4  }
0x30: {  	[hbm:s10], [sflag:s7] =	dma.local [spmem:s12], $0x2800  }
0x31: {  	_ =	swait.ge [sflag:s13], $0x2800  }
0x32: {  	[sflag:s13] =	ssyncset.done $0x0  }
0x33: {  	[sflag:s13] =	ssyncadd.s32 $0xFFFFD800  }
0x34: {  	_ =	sfence.sel $0x180000  }
0x35: {  	[bflag:$0x0] =	sbarrier.arrive $0xFFFF  }
0x36: {  	p0 =	sne.s32 s0, $0x0;
	_ =	strace $0x90000050  }
0x37: {  	s0 =	sadd.s32 @!p0 $0x100000, s1;
	[bflag:$0x2] =	sbarrier.arrive $0xFFFF  }
0x38: {  	[sflag:s0] =	ssyncadd.tile.s32 @!p0 $0x1;
	_ =	shalt  }
.Lfunc_end2:
_tile_overlayer_lowered:
.L_overlay_start_2:
0x39: {  	(tag) =	ssettag $0x2  }
0x3a: {  	s0 =	rddreg [dreg:$0x0];
	s2 =	stileid.u32  }
0x3b: {  	s1 =	rddreg [dreg:$0x1];
	p0 =	sne.s32 s2, $0x0  }
0x3c: {  	s3 =	rddreg [dreg:$0x2];
	[bflag:$0x3] =	sbarrier.arrive $0xFFFF;
	s2 =	simm.s32 @!p0 $0x1C02  }
0x3d: {  	[timem:s3], [sflag:s2] =	dma.local @!p0 [hbm:s0], s1  }
0x3e: {  	s0 =	simm.s32 @!p0 $0x2  }
0x3f: {  	_ =	swait.ge @!p0 [sflag:s0], s1  }
0x40: {  	s1 =	ssub.s32 @!p0 $0x0, s1;
	[sflag:s0] =	ssyncset.done @!p0 $0x0  }
0x41: {  	[sflag:s0] =	ssyncadd.s32 @!p0 s1  }
0x42: {  	[bflag:$0x3] =	sbarrier.arrive $0xFFFF  }
0x43: {  	_ =	shalt  }

</sc_bundles>
